<compile_context>
chip_gen: v7x
topology: tpu7x:2x2x1
jax: 0.10.2.dev20260603
libtpu: 0.0.44.dev20260713+nightly
codegen_flags: <defaults>
</compile_context>

<pallas_src>
import jax
import jax.numpy as jnp
from jax import lax
from jax.experimental import pallas as pl
from jax.experimental.pallas import tpu as pltpu
from jax.experimental.pallas import tpu_sc as plsc

VOCAB = 1000000
EMBED = 64
HID = 64
B = 4096
L = 200

NUM_CORES = 2
NUM_SUBCORES = 16
NUM_WORKERS = NUM_CORES * NUM_SUBCORES
BPW = B // NUM_WORKERS

CHUNKS = ((0, 128), (128, 72))


TPAD = 128


NBUF = 3


def _pool_body(x_hbm, table_hbm, out_hbm, idx_v, buf0, buf1, buf2, acc_v,
               sem0, sem1, sem2):
    cid = lax.axis_index("c")
    sid = lax.axis_index("s")
    wid = sid * NUM_CORES + cid
    base = wid * BPW

    pltpu.sync_copy(x_hbm.at[pl.ds(base, BPW)], idx_v)

    bufs = (buf0, buf1, buf2)
    sems = (sem0, sem1, sem2)

    def issue(i, b):
        for off, n in CHUNKS:
            pltpu.async_copy(
                table_hbm.at[idx_v.at[i, pl.ds(off, n)]],
                bufs[b].at[pl.ds(off, n)],
                sems[b],
            )

    def drain(b):
        pltpu.make_async_copy(table_hbm.at[pl.ds(0, L)], bufs[b], sems[b]).wait()

    for b in range(NBUF):
        issue(b, b)

    def outer(g, carry):
        for b in range(NBUF):
            i = g * NBUF + b

            @pl.when(i < BPW)
            def _():
                drain(b)

                @pl.when(i + NBUF < BPW)
                def _():
                    issue(i + NBUF, b)

                buf = bufs[b]

                def red(j, accs):
                    a = list(accs)
                    for k in range(8):
                        r = j * 8 + k
                        for c in range(4):
                            a[c] = a[c] + buf[r, pl.ds(c * 16, 16)]
                    return tuple(a)

                accs = lax.fori_loop(
                    0, L // 8, red,
                    tuple(jnp.zeros((16,), jnp.float32) for _ in range(4)),
                )
                for c in range(4):
                    acc_v[i, pl.ds(c * 16, 16)] = accs[c]
        return carry

    lax.fori_loop(0, (BPW + NBUF - 1) // NBUF, outer, 0)

    pltpu.sync_copy(acc_v, out_hbm.at[pl.ds(base, BPW)])


def _pooled_sums(x, table):
    mesh = plsc.VectorSubcoreMesh(core_axis_name="c", subcore_axis_name="s")
    return pl.kernel(
        _pool_body,
        out_type=jax.ShapeDtypeStruct((B, EMBED), jnp.float32),
        mesh=mesh,
        compiler_params=pltpu.CompilerParams(use_tc_tiling_on_sc=False),
        scratch_types=[
            pltpu.VMEM((BPW, L), jnp.int32),
            pltpu.VMEM((L, TPAD), jnp.float32),
            pltpu.VMEM((L, TPAD), jnp.float32),
            pltpu.VMEM((L, TPAD), jnp.float32),
            pltpu.VMEM((BPW, EMBED), jnp.float32),
            pltpu.SemaphoreType.DMA,
            pltpu.SemaphoreType.DMA,
            pltpu.SemaphoreType.DMA,
        ],
    )(x, table)


TCOLS = 16384


def _detile_body(tt_ref, out_ref):
    t = tt_ref[...].T
    out_ref[...] = jnp.concatenate([t, jnp.zeros_like(t)], axis=1)


def _detile(table_t):
    return pl.pallas_call(
        _detile_body,
        grid=((VOCAB + TCOLS - 1) // TCOLS,),
        in_specs=[pl.BlockSpec((EMBED, TCOLS), lambda i: (0, i))],
        out_specs=pl.BlockSpec((TCOLS, TPAD), lambda i: (i, 0)),
        out_shape=jax.ShapeDtypeStruct((VOCAB, TPAD), jnp.float32),
    )(table_t)


def _mlp_body(sum_ref, wc_ref, bc_ref, wh_ref, bh_ref, out_ref):
    pooled = sum_ref[...] * (1.0 / L)
    h = jnp.dot(pooled, wc_ref[...], preferred_element_type=jnp.float32)
    h = jnp.maximum(h + bc_ref[...], 0.0)
    out_ref[...] = (
        jnp.dot(h, wh_ref[...], preferred_element_type=jnp.float32) + bh_ref[...]
    )


def _mlp(sums, wc_t, bc, wh_t, bh):
    return pl.pallas_call(
        _mlp_body,
        out_shape=jax.ShapeDtypeStruct((B, 16), jnp.float32),
    )(sums, wc_t, bc, wh_t, bh)


def kernel(x, table, W_common, b_common, W_stars, b_stars, W_useful, b_useful,
           W_funny, b_funny, W_cool, b_cool):
    table_padded = _detile(table.T)
    sums = _pooled_sums(x, table_padded)
    wh = jnp.concatenate([W_stars, W_useful, W_funny, W_cool], axis=0)
    bh = jnp.concatenate([b_stars, b_useful, b_funny, b_cool], axis=0)
    logits = _mlp(
        sums,
        W_common.T,
        b_common.reshape(1, HID),
        wh.T,
        bh.reshape(1, 16),
    )
    return (logits[:, 0:4], logits[:, 4:8], logits[:, 8:12], logits[:, 12:16])

# --- scband reference (transcript-rebuilt; emitter-appended) ---
"""Pipeline reference for scband-yelp-sentiment-neural-network-28260884808287 (READ-ONLY COPY).

The authoritative reference and input builder live on the scoring server;
editing this copy changes nothing except your own understanding.
"""

import jax, jax.numpy as jnp
import numpy as np

VOCAB = 1000000
EMBED = 64
HID = 64
B = 4096
L = 200


def setup_inputs(seed: int = 0) -> dict:
    key = jax.random.key(seed)
    ks = jax.random.split(key, 12)
    x = jax.random.randint(ks[0], (B, L), 0, VOCAB, dtype=jnp.int32)
    table = jax.random.normal(ks[1], (VOCAB, EMBED), dtype=jnp.float32) * 0.02
    table = table.at[0].set(0.0)  # padding_idx=0
    W_common = jax.random.normal(ks[2], (HID, EMBED), dtype=jnp.float32) * 0.05
    b_common = jnp.zeros((HID,), dtype=jnp.float32)
    W_stars = jax.random.normal(ks[3], (4, HID), dtype=jnp.float32) * 0.05
    b_stars = jnp.zeros((4,), dtype=jnp.float32)
    W_useful = jax.random.normal(ks[4], (4, HID), dtype=jnp.float32) * 0.05
    b_useful = jnp.zeros((4,), dtype=jnp.float32)
    W_funny = jax.random.normal(ks[5], (4, HID), dtype=jnp.float32) * 0.05
    b_funny = jnp.zeros((4,), dtype=jnp.float32)
    W_cool = jax.random.normal(ks[6], (4, HID), dtype=jnp.float32) * 0.05
    b_cool = jnp.zeros((4,), dtype=jnp.float32)
    return {"x": x, "table": table, "W_common": W_common, "b_common": b_common,
            "W_stars": W_stars, "b_stars": b_stars, "W_useful": W_useful, "b_useful": b_useful,
            "W_funny": W_funny, "b_funny": b_funny, "W_cool": W_cool, "b_cool": b_cool}


def reference(x, table, W_common, b_common, W_stars, b_stars, W_useful, b_useful,
              W_funny, b_funny, W_cool, b_cool):
    embeds = jnp.take(table, x, axis=0)           # [B, L, EMBED] gather
    pooled = embeds.mean(axis=1)                  # [B, EMBED]
    h = jax.nn.relu(pooled @ W_common.T + b_common)
    # dropout in eval mode = identity
    stars_logits = h @ W_stars.T + b_stars
    useful_logits = h @ W_useful.T + b_useful
    funny_logits = h @ W_funny.T + b_funny
    cool_logits = h @ W_cool.T + b_cool
    return (stars_logits, useful_logits, funny_logits, cool_logits)

if __name__ == "__main__":
    import jax
    _d = setup_inputs()
    print(jax.jit(kernel)(*tuple(_d.values())))

</pallas_src>

<mosaic_0001>
#map = affine_map<(d0, d1) -> (0, 0)>
module attributes {stable_mosaic.version = 14 : i64} {
  func.func @_pool_body(%arg0: i32, %arg1: i32, %arg2: memref<4096x200xi32, #tpu.memory_space<hbm>>, %arg3: memref<1000000x128xf32, #tpu.memory_space<hbm>>, %arg4: memref<4096x64xf32, #tpu.memory_space<hbm>>, %arg5: memref<128x200xi32, #tpu.memory_space<vmem>>, %arg6: memref<200x128xf32, #tpu.memory_space<vmem>>, %arg7: memref<200x128xf32, #tpu.memory_space<vmem>>, %arg8: memref<200x128xf32, #tpu.memory_space<vmem>>, %arg9: memref<128x64xf32, #tpu.memory_space<vmem>>, %arg10: memref<!tpu.dma_semaphore, #tpu.memory_space<semaphore_mem>>, %arg11: memref<!tpu.dma_semaphore, #tpu.memory_space<semaphore_mem>>, %arg12: memref<!tpu.dma_semaphore, #tpu.memory_space<semaphore_mem>>) attributes {dimension_semantics = [#tpu.dimension_semantics<core_parallel>, #tpu.dimension_semantics<subcore_parallel>], iteration_bounds = array<i64: 2, 16>, scalar_prefetch = 0 : i64, scratch_operands = 8 : i64, tpu.core_type = #tpu.core_type<sc_vector_subcore>, window_params = [{transform_indices = #map}, {transform_indices = #map}, {transform_indices = #map}]} {
    %mul3A = arith.constant 2 : i32
    %mul3A_0 = arith.muli %arg1, %mul3A : i32
    %add3A = arith.addi %mul3A_0, %arg0 : i32
    %mul3A_1 = arith.constant 128 : i32
    %mul3A_2 = arith.muli %add3A, %mul3A_1 : i32
    "tpu.region"() ({
      %run_scoped3A = tpu.sem_alloc : memref<!tpu.dma_semaphore, #tpu.memory_space<semaphore_mem>>
      %dma_start3A_67 = arith.constant 0 : i32
      %dma_start3A_68 = tpu.memref_slice %arg2[%mul3A_2, %dma_start3A_67] : memref<4096x200xi32, #tpu.memory_space<hbm>> -> memref<128x200xi32, #tpu.memory_space<hbm>>
      %dma_start3A_69 = arith.constant 0 : i32
      %dma_start3A_70 = tpu.memref_slice %arg2[%mul3A_2, %dma_start3A_69] : memref<4096x200xi32, #tpu.memory_space<hbm>> -> memref<128x200xi32, #tpu.memory_space<hbm>>
      tpu.enqueue_dma source(%dma_start3A_70 : memref<128x200xi32, #tpu.memory_space<hbm>>) target(%arg5 : memref<128x200xi32, #tpu.memory_space<vmem>>) target_semaphore(%run_scoped3A : memref<!tpu.dma_semaphore, #tpu.memory_space<semaphore_mem>>)
      %dma_wait3A = arith.constant 0 : i32
      %dma_wait3A_71 = tpu.memref_slice %arg2[%mul3A_2, %dma_wait3A] : memref<4096x200xi32, #tpu.memory_space<hbm>> -> memref<128x200xi32, #tpu.memory_space<hbm>>
      %dma_wait3A_72 = arith.constant 0 : i32
      %dma_wait3A_73 = tpu.memref_slice %arg2[%mul3A_2, %dma_wait3A_72] : memref<4096x200xi32, #tpu.memory_space<hbm>> -> memref<128x200xi32, #tpu.memory_space<hbm>>
      tpu.wait_dma2 semaphore(%run_scoped3A : memref<!tpu.dma_semaphore, #tpu.memory_space<semaphore_mem>>) src(%dma_wait3A_73 : memref<128x200xi32, #tpu.memory_space<hbm>>) dst(%arg5 : memref<128x200xi32, #tpu.memory_space<vmem>>)
      tpu.yield
    }) : () -> ()
    %dma_start3A = arith.constant 0 : i32
    %dma_start3A_3 = arith.constant 0 : i32
    %dma_start3A_4 = arith.constant 0 : i32
    %dma_start3A_5 = tpu.memref_slice %arg6[%dma_start3A_3, %dma_start3A_4] : memref<200x128xf32, #tpu.memory_space<vmem>> -> memref<128x128xf32, #tpu.memory_space<vmem>>
    %dma_start3A_6 = arith.constant 0 : i32
    %dma_start3A_7 = tpu.memref_slice %arg5[%dma_start3A, %dma_start3A_6] : memref<128x200xi32, #tpu.memory_space<vmem>> -> memref<1x128xi32, #tpu.memory_space<vmem>>
    %dma_start3A_8 = tpu.memref_squeeze %dma_start3A_7 : memref<1x128xi32, #tpu.memory_space<vmem>> -> memref<128xi32, #tpu.memory_space<vmem>>
    %dma_start3A_9 = arith.constant 0 : i32
    %dma_start3A_10 = arith.constant 0 : i32
    %dma_start3A_11 = tpu.memref_slice %arg3[%dma_start3A_9, %dma_start3A_10] : memref<1000000x128xf32, #tpu.memory_space<hbm>> -> memref<1000000x128xf32, #tpu.memory_space<hbm>>
    tpu.enqueue_indirect_dma source(%dma_start3A_11 : memref<1000000x128xf32, #tpu.memory_space<hbm>>) target(%dma_start3A_5 : memref<128x128xf32, #tpu.memory_space<vmem>>) offsets(%dma_start3A_8 : memref<128xi32, #tpu.memory_space<vmem>>) semaphore(%arg10 : memref<!tpu.dma_semaphore, #tpu.memory_space<semaphore_mem>>)
    %dma_start3A_12 = arith.constant 0 : i32
    %dma_start3A_13 = arith.constant 128 : i32
    %dma_start3A_14 = arith.constant 0 : i32
    %dma_start3A_15 = tpu.memref_slice %arg6[%dma_start3A_13, %dma_start3A_14] : memref<200x128xf32, #tpu.memory_space<vmem>> -> memref<72x128xf32, #tpu.memory_space<vmem>>
    %dma_start3A_16 = arith.constant 128 : i32
    %dma_start3A_17 = tpu.memref_slice %arg5[%dma_start3A_12, %dma_start3A_16] : memref<128x200xi32, #tpu.memory_space<vmem>> -> memref<1x72xi32, #tpu.memory_space<vmem>>
    %dma_start3A_18 = tpu.memref_squeeze %dma_start3A_17 : memref<1x72xi32, #tpu.memory_space<vmem>> -> memref<72xi32, #tpu.memory_space<vmem>>
    %dma_start3A_19 = arith.constant 0 : i32
    %dma_start3A_20 = arith.constant 0 : i32
    %dma_start3A_21 = tpu.memref_slice %arg3[%dma_start3A_19, %dma_start3A_20] : memref<1000000x128xf32, #tpu.memory_space<hbm>> -> memref<1000000x128xf32, #tpu.memory_space<hbm>>
    tpu.enqueue_indirect_dma source(%dma_start3A_21 : memref<1000000x128xf32, #tpu.memory_space<hbm>>) target(%dma_start3A_15 : memref<72x128xf32, #tpu.memory_space<vmem>>) offsets(%dma_start3A_18 : memref<72xi32, #tpu.memory_space<vmem>>) semaphore(%arg10 : memref<!tpu.dma_semaphore, #tpu.memory_space<semaphore_mem>>)
    %dma_start3A_22 = arith.constant 1 : i32
    %dma_start3A_23 = arith.constant 0 : i32
    %dma_start3A_24 = arith.constant 0 : i32
    %dma_start3A_25 = tpu.memref_slice %arg7[%dma_start3A_23, %dma_start3A_24] : memref<200x128xf32, #tpu.memory_space<vmem>> -> memref<128x128xf32, #tpu.memory_space<vmem>>
    %dma_start3A_26 = arith.constant 0 : i32
    %dma_start3A_27 = tpu.memref_slice %arg5[%dma_start3A_22, %dma_start3A_26] : memref<128x200xi32, #tpu.memory_space<vmem>> -> memref<1x128xi32, #tpu.memory_space<vmem>>
    %dma_start3A_28 = tpu.memref_squeeze %dma_start3A_27 : memref<1x128xi32, #tpu.memory_space<vmem>> -> memref<128xi32, #tpu.memory_space<vmem>>
    %dma_start3A_29 = arith.constant 0 : i32
    %dma_start3A_30 = arith.constant 0 : i32
    %dma_start3A_31 = tpu.memref_slice %arg3[%dma_start3A_29, %dma_start3A_30] : memref<1000000x128xf32, #tpu.memory_space<hbm>> -> memref<1000000x128xf32, #tpu.memory_space<hbm>>
    tpu.enqueue_indirect_dma source(%dma_start3A_31 : memref<1000000x128xf32, #tpu.memory_space<hbm>>) target(%dma_start3A_25 : memref<128x128xf32, #tpu.memory_space<vmem>>) offsets(%dma_start3A_28 : memref<128xi32, #tpu.memory_space<vmem>>) semaphore(%arg11 : memref<!tpu.dma_semaphore, #tpu.memory_space<semaphore_mem>>)
    %dma_start3A_32 = arith.constant 1 : i32
    %dma_start3A_33 = arith.constant 128 : i32
    %dma_start3A_34 = arith.constant 0 : i32
    %dma_start3A_35 = tpu.memref_slice %arg7[%dma_start3A_33, %dma_start3A_34] : memref<200x128xf32, #tpu.memory_space<vmem>> -> memref<72x128xf32, #tpu.memory_space<vmem>>
    %dma_start3A_36 = arith.constant 128 : i32
    %dma_start3A_37 = tpu.memref_slice %arg5[%dma_start3A_32, %dma_start3A_36] : memref<128x200xi32, #tpu.memory_space<vmem>> -> memref<1x72xi32, #tpu.memory_space<vmem>>
    %dma_start3A_38 = tpu.memref_squeeze %dma_start3A_37 : memref<1x72xi32, #tpu.memory_space<vmem>> -> memref<72xi32, #tpu.memory_space<vmem>>
    %dma_start3A_39 = arith.constant 0 : i32
    %dma_start3A_40 = arith.constant 0 : i32
    %dma_start3A_41 = tpu.memref_slice %arg3[%dma_start3A_39, %dma_start3A_40] : memref<1000000x128xf32, #tpu.memory_space<hbm>> -> memref<1000000x128xf32, #tpu.memory_space<hbm>>
    tpu.enqueue_indirect_dma source(%dma_start3A_41 : memref<1000000x128xf32, #tpu.memory_space<hbm>>) target(%dma_start3A_35 : memref<72x128xf32, #tpu.memory_space<vmem>>) offsets(%dma_start3A_38 : memref<72xi32, #tpu.memory_space<vmem>>) semaphore(%arg11 : memref<!tpu.dma_semaphore, #tpu.memory_space<semaphore_mem>>)
    %dma_start3A_42 = arith.constant 2 : i32
    %dma_start3A_43 = arith.constant 0 : i32
    %dma_start3A_44 = arith.constant 0 : i32
    %dma_start3A_45 = tpu.memref_slice %arg8[%dma_start3A_43, %dma_start3A_44] : memref<200x128xf32, #tpu.memory_space<vmem>> -> memref<128x128xf32, #tpu.memory_space<vmem>>
    %dma_start3A_46 = arith.constant 0 : i32
    %dma_start3A_47 = tpu.memref_slice %arg5[%dma_start3A_42, %dma_start3A_46] : memref<128x200xi32, #tpu.memory_space<vmem>> -> memref<1x128xi32, #tpu.memory_space<vmem>>
    %dma_start3A_48 = tpu.memref_squeeze %dma_start3A_47 : memref<1x128xi32, #tpu.memory_space<vmem>> -> memref<128xi32, #tpu.memory_space<vmem>>
    %dma_start3A_49 = arith.constant 0 : i32
    %dma_start3A_50 = arith.constant 0 : i32
    %dma_start3A_51 = tpu.memref_slice %arg3[%dma_start3A_49, %dma_start3A_50] : memref<1000000x128xf32, #tpu.memory_space<hbm>> -> memref<1000000x128xf32, #tpu.memory_space<hbm>>
    tpu.enqueue_indirect_dma source(%dma_start3A_51 : memref<1000000x128xf32, #tpu.memory_space<hbm>>) target(%dma_start3A_45 : memref<128x128xf32, #tpu.memory_space<vmem>>) offsets(%dma_start3A_48 : memref<128xi32, #tpu.memory_space<vmem>>) semaphore(%arg12 : memref<!tpu.dma_semaphore, #tpu.memory_space<semaphore_mem>>)
    %dma_start3A_52 = arith.constant 2 : i32
    %dma_start3A_53 = arith.constant 128 : i32
    %dma_start3A_54 = arith.constant 0 : i32
    %dma_start3A_55 = tpu.memref_slice %arg8[%dma_start3A_53, %dma_start3A_54] : memref<200x128xf32, #tpu.memory_space<vmem>> -> memref<72x128xf32, #tpu.memory_space<vmem>>
    %dma_start3A_56 = arith.constant 128 : i32
    %dma_start3A_57 = tpu.memref_slice %arg5[%dma_start3A_52, %dma_start3A_56] : memref<128x200xi32, #tpu.memory_space<vmem>> -> memref<1x72xi32, #tpu.memory_space<vmem>>
    %dma_start3A_58 = tpu.memref_squeeze %dma_start3A_57 : memref<1x72xi32, #tpu.memory_space<vmem>> -> memref<72xi32, #tpu.memory_space<vmem>>
    %dma_start3A_59 = arith.constant 0 : i32
    %dma_start3A_60 = arith.constant 0 : i32
    %dma_start3A_61 = tpu.memref_slice %arg3[%dma_start3A_59, %dma_start3A_60] : memref<1000000x128xf32, #tpu.memory_space<hbm>> -> memref<1000000x128xf32, #tpu.memory_space<hbm>>
    tpu.enqueue_indirect_dma source(%dma_start3A_61 : memref<1000000x128xf32, #tpu.memory_space<hbm>>) target(%dma_start3A_55 : memref<72x128xf32, #tpu.memory_space<vmem>>) offsets(%dma_start3A_58 : memref<72xi32, #tpu.memory_space<vmem>>) semaphore(%arg12 : memref<!tpu.dma_semaphore, #tpu.memory_space<semaphore_mem>>)
    %scan3A = arith.constant 0 : i32
    %scan3A_62 = arith.constant 0 : i32
    %scan3A_63 = arith.constant 43 : i32
    %scan3A_64 = arith.addi %scan3A_62, %scan3A_63 : i32
    %scan3A_65 = arith.constant 1 : i32
    scf.for %scan3A_67 = %scan3A_62 to %scan3A_64 step %scan3A_65  : i32 {
      %mul3A_68 = arith.constant 3 : i32
      %mul3A_69 = arith.muli %scan3A_67, %mul3A_68 : i32
      %add3A_70 = arith.constant 0 : i32
      %add3A_71 = arith.addi %mul3A_69, %add3A_70 : i32
      %lt3A = arith.constant 128 : i32
      %lt3A_72 = arith.cmpi slt, %add3A_71, %lt3A : i32
      %convert_element_type3A = arith.extui %lt3A_72 : i1 to i32
      %cond3A = arith.constant 0 : i32
      %cond3A_73 = arith.cmpi ne, %convert_element_type3A, %cond3A : i32
      scf.if %cond3A_73 {
        %dma_wait3A = arith.constant 0 : i32
        %dma_wait3A_92 = arith.constant 0 : i32
        %dma_wait3A_93 = tpu.memref_slice %arg3[%dma_wait3A, %dma_wait3A_92] : memref<1000000x128xf32, #tpu.memory_space<hbm>> -> memref<200x128xf32, #tpu.memory_space<hbm>>
        %dma_wait3A_94 = arith.constant 0 : i32
        %dma_wait3A_95 = arith.constant 0 : i32
        %dma_wait3A_96 = tpu.memref_slice %arg3[%dma_wait3A_94, %dma_wait3A_95] : memref<1000000x128xf32, #tpu.memory_space<hbm>> -> memref<200x128xf32, #tpu.memory_space<hbm>>
        tpu.wait_dma2 semaphore(%arg10 : memref<!tpu.dma_semaphore, #tpu.memory_space<semaphore_mem>>) src(%dma_wait3A_96 : memref<200x128xf32, #tpu.memory_space<hbm>>) dst(%arg6 : memref<200x128xf32, #tpu.memory_space<vmem>>)
        %add3A_97 = arith.constant 3 : i32
        %add3A_98 = arith.addi %add3A_71, %add3A_97 : i32
        %lt3A_99 = arith.constant 128 : i32
        %lt3A_100 = arith.cmpi slt, %add3A_98, %lt3A_99 : i32
        %convert_element_type3A_101 = arith.extui %lt3A_100 : i1 to i32
        %cond3A_102 = arith.constant 0 : i32
        %cond3A_103 = arith.cmpi ne, %convert_element_type3A_101, %cond3A_102 : i32
        scf.if %cond3A_103 {
          %add3A_136 = arith.constant 3 : i32
          %add3A_137 = arith.addi %add3A_71, %add3A_136 : i32
          %dma_start3A_138 = arith.constant 0 : i32
          %dma_start3A_139 = arith.constant 0 : i32
          %dma_start3A_140 = tpu.memref_slice %arg6[%dma_start3A_138, %dma_start3A_139] : memref<200x128xf32, #tpu.memory_space<vmem>> -> memref<128x128xf32, #tpu.memory_space<vmem>>
          %dma_start3A_141 = arith.constant 0 : i32
          %dma_start3A_142 = tpu.memref_slice %arg5[%add3A_137, %dma_start3A_141] : memref<128x200xi32, #tpu.memory_space<vmem>> -> memref<1x128xi32, #tpu.memory_space<vmem>>
          %dma_start3A_143 = tpu.memref_squeeze %dma_start3A_142 : memref<1x128xi32, #tpu.memory_space<vmem>> -> memref<128xi32, #tpu.memory_space<vmem>>
          %dma_start3A_144 = arith.constant 0 : i32
          %dma_start3A_145 = arith.constant 0 : i32
          %dma_start3A_146 = tpu.memref_slice %arg3[%dma_start3A_144, %dma_start3A_145] : memref<1000000x128xf32, #tpu.memory_space<hbm>> -> memref<1000000x128xf32, #tpu.memory_space<hbm>>
          tpu.enqueue_indirect_dma source(%dma_start3A_146 : memref<1000000x128xf32, #tpu.memory_space<hbm>>) target(%dma_start3A_140 : memref<128x128xf32, #tpu.memory_space<vmem>>) offsets(%dma_start3A_143 : memref<128xi32, #tpu.memory_space<vmem>>) semaphore(%arg10 : memref<!tpu.dma_semaphore, #tpu.memory_space<semaphore_mem>>)
          %dma_start3A_147 = arith.constant 128 : i32
          %dma_start3A_148 = arith.constant 0 : i32
          %dma_start3A_149 = tpu.memref_slice %arg6[%dma_start3A_147, %dma_start3A_148] : memref<200x128xf32, #tpu.memory_space<vmem>> -> memref<72x128xf32, #tpu.memory_space<vmem>>
          %dma_start3A_150 = arith.constant 128 : i32
          %dma_start3A_151 = tpu.memref_slice %arg5[%add3A_137, %dma_start3A_150] : memref<128x200xi32, #tpu.memory_space<vmem>> -> memref<1x72xi32, #tpu.memory_space<vmem>>
          %dma_start3A_152 = tpu.memref_squeeze %dma_start3A_151 : memref<1x72xi32, #tpu.memory_space<vmem>> -> memref<72xi32, #tpu.memory_space<vmem>>
          %dma_start3A_153 = arith.constant 0 : i32
          %dma_start3A_154 = arith.constant 0 : i32
          %dma_start3A_155 = tpu.memref_slice %arg3[%dma_start3A_153, %dma_start3A_154] : memref<1000000x128xf32, #tpu.memory_space<hbm>> -> memref<1000000x128xf32, #tpu.memory_space<hbm>>
          tpu.enqueue_indirect_dma source(%dma_start3A_155 : memref<1000000x128xf32, #tpu.memory_space<hbm>>) target(%dma_start3A_149 : memref<72x128xf32, #tpu.memory_space<vmem>>) offsets(%dma_start3A_152 : memref<72xi32, #tpu.memory_space<vmem>>) semaphore(%arg10 : memref<!tpu.dma_semaphore, #tpu.memory_space<semaphore_mem>>)
        } else {
        }
        %broadcast_in_dim3A = arith.constant 0.000000e+00 : f32
        %broadcast_in_dim3A_104 = vector.broadcast %broadcast_in_dim3A : f32 to vector<16xf32>
        %broadcast_in_dim3A_105 = arith.constant 0.000000e+00 : f32
        %broadcast_in_dim3A_106 = vector.broadcast %broadcast_in_dim3A_105 : f32 to vector<16xf32>
        %broadcast_in_dim3A_107 = arith.constant 0.000000e+00 : f32
        %broadcast_in_dim3A_108 = vector.broadcast %broadcast_in_dim3A_107 : f32 to vector<16xf32>
        %broadcast_in_dim3A_109 = arith.constant 0.000000e+00 : f32
        %broadcast_in_dim3A_110 = vector.broadcast %broadcast_in_dim3A_109 : f32 to vector<16xf32>
        %scan3A_111 = arith.constant 0 : i32
        %scan3A_112 = arith.constant 25 : i32
        %scan3A_113 = arith.addi %scan3A_111, %scan3A_112 : i32
        %scan3A_114 = arith.constant 1 : i32
        %scan3A_115:4 = scf.for %scan3A_136 = %scan3A_111 to %scan3A_113 step %scan3A_114 iter_args(%scan3A_137 = %broadcast_in_dim3A_104, %scan3A_138 = %broadcast_in_dim3A_106, %scan3A_139 = %broadcast_in_dim3A_108, %scan3A_140 = %broadcast_in_dim3A_110) -> (vector<16xf32>, vector<16xf32>, vector<16xf32>, vector<16xf32>)  : i32 {
          %mul3A_141 = arith.constant 8 : i32
          %mul3A_142 = arith.muli %scan3A_136, %mul3A_141 : i32
          %add3A_143 = arith.constant 0 : i32
          %add3A_144 = arith.addi %mul3A_142, %add3A_143 : i32
          %get3A = arith.index_cast %add3A_144 : i32 to index
          %get3A_145 = arith.constant 0 : index
          %get3A_146 = tpu.vector_load %arg6[%get3A, %get3A_145] {strides = array<i32>} : memref<200x128xf32, #tpu.memory_space<vmem>>, vector<1x16xf32>,
          %get3A_147 = vector.shape_cast %get3A_146 : vector<1x16xf32> to vector<16xf32>
          %add3A_148 = arith.addf %scan3A_137, %get3A_147 : vector<16xf32>
          %get3A_149 = arith.index_cast %add3A_144 : i32 to index
          %get3A_150 = arith.constant 16 : index
          %get3A_151 = tpu.vector_load %arg6[%get3A_149, %get3A_150] {strides = array<i32>} : memref<200x128xf32, #tpu.memory_space<vmem>>, vector<1x16xf32>,
          %get3A_152 = vector.shape_cast %get3A_151 : vector<1x16xf32> to vector<16xf32>
          %add3A_153 = arith.addf %scan3A_138, %get3A_152 : vector<16xf32>
          %get3A_154 = arith.index_cast %add3A_144 : i32 to index
          %get3A_155 = arith.constant 32 : index
          %get3A_156 = tpu.vector_load %arg6[%get3A_154, %get3A_155] {strides = array<i32>} : memref<200x128xf32, #tpu.memory_space<vmem>>, vector<1x16xf32>,
          %get3A_157 = vector.shape_cast %get3A_156 : vector<1x16xf32> to vector<16xf32>
          %add3A_158 = arith.addf %scan3A_139, %get3A_157 : vector<16xf32>
          %get3A_159 = arith.index_cast %add3A_144 : i32 to index
          %get3A_160 = arith.constant 48 : index
          %get3A_161 = tpu.vector_load %arg6[%get3A_159, %get3A_160] {strides = array<i32>} : memref<200x128xf32, #tpu.memory_space<vmem>>, vector<1x16xf32>,
          %get3A_162 = vector.shape_cast %get3A_161 : vector<1x16xf32> to vector<16xf32>
          %add3A_163 = arith.addf %scan3A_140, %get3A_162 : vector<16xf32>
          %mul3A_164 = arith.constant 8 : i32
          %mul3A_165 = arith.muli %scan3A_136, %mul3A_164 : i32
          %add3A_166 = arith.constant 1 : i32
          %add3A_167 = arith.addi %mul3A_165, %add3A_166 : i32
          %get3A_168 = arith.index_cast %add3A_167 : i32 to index
          %get3A_169 = arith.constant 0 : index
          %get3A_170 = tpu.vector_load %arg6[%get3A_168, %get3A_169] {strides = array<i32>} : memref<200x128xf32, #tpu.memory_space<vmem>>, vector<1x16xf32>,
          %get3A_171 = vector.shape_cast %get3A_170 : vector<1x16xf32> to vector<16xf32>
          %add3A_172 = arith.addf %add3A_148, %get3A_171 : vector<16xf32>
          %get3A_173 = arith.index_cast %add3A_167 : i32 to index
          %get3A_174 = arith.constant 16 : index
          %get3A_175 = tpu.vector_load %arg6[%get3A_173, %get3A_174] {strides = array<i32>} : memref<200x128xf32, #tpu.memory_space<vmem>>, vector<1x16xf32>,
          %get3A_176 = vector.shape_cast %get3A_175 : vector<1x16xf32> to vector<16xf32>
          %add3A_177 = arith.addf %add3A_153, %get3A_176 : vector<16xf32>
          %get3A_178 = arith.index_cast %add3A_167 : i32 to index
          %get3A_179 = arith.constant 32 : index
          %get3A_180 = tpu.vector_load %arg6[%get3A_178, %get3A_179] {strides = array<i32>} : memref<200x128xf32, #tpu.memory_space<vmem>>, vector<1x16xf32>,
          %get3A_181 = vector.shape_cast %get3A_180 : vector<1x16xf32> to vector<16xf32>
          %add3A_182 = arith.addf %add3A_158, %get3A_181 : vector<16xf32>
          %get3A_183 = arith.index_cast %add3A_167 : i32 to index
          %get3A_184 = arith.constant 48 : index
          %get3A_185 = tpu.vector_load %arg6[%get3A_183, %get3A_184] {strides = array<i32>} : memref<200x128xf32, #tpu.memory_space<vmem>>, vector<1x16xf32>,
          %get3A_186 = vector.shape_cast %get3A_185 : vector<1x16xf32> to vector<16xf32>
          %add3A_187 = arith.addf %add3A_163, %get3A_186 : vector<16xf32>
          %mul3A_188 = arith.constant 8 : i32
          %mul3A_189 = arith.muli %scan3A_136, %mul3A_188 : i32
          %add3A_190 = arith.constant 2 : i32
          %add3A_191 = arith.addi %mul3A_189, %add3A_190 : i32
          %get3A_192 = arith.index_cast %add3A_191 : i32 to index
          %get3A_193 = arith.constant 0 : index
          %get3A_194 = tpu.vector_load %arg6[%get3A_192, %get3A_193] {strides = array<i32>} : memref<200x128xf32, #tpu.memory_space<vmem>>, vector<1x16xf32>,
          %get3A_195 = vector.shape_cast %get3A_194 : vector<1x16xf32> to vector<16xf32>
          %add3A_196 = arith.addf %add3A_172, %get3A_195 : vector<16xf32>
          %get3A_197 = arith.index_cast %add3A_191 : i32 to index
          %get3A_198 = arith.constant 16 : index
          %get3A_199 = tpu.vector_load %arg6[%get3A_197, %get3A_198] {strides = array<i32>} : memref<200x128xf32, #tpu.memory_space<vmem>>, vector<1x16xf32>,
          %get3A_200 = vector.shape_cast %get3A_199 : vector<1x16xf32> to vector<16xf32>
          %add3A_201 = arith.addf %add3A_177, %get3A_200 : vector<16xf32>
          %get3A_202 = arith.index_cast %add3A_191 : i32 to index
          %get3A_203 = arith.constant 32 : index
          %get3A_204 = tpu.vector_load %arg6[%get3A_202, %get3A_203] {strides = array<i32>} : memref<200x128xf32, #tpu.memory_space<vmem>>, vector<1x16xf32>,
          %get3A_205 = vector.shape_cast %get3A_204 : vector<1x16xf32> to vector<16xf32>
          %add3A_206 = arith.addf %add3A_182, %get3A_205 : vector<16xf32>
          %get3A_207 = arith.index_cast %add3A_191 : i32 to index
          %get3A_208 = arith.constant 48 : index
          %get3A_209 = tpu.vector_load %arg6[%get3A_207, %get3A_208] {strides = array<i32>} : memref<200x128xf32, #tpu.memory_space<vmem>>, vector<1x16xf32>,
          %get3A_210 = vector.shape_cast %get3A_209 : vector<1x16xf32> to vector<16xf32>
          %add3A_211 = arith.addf %add3A_187, %get3A_210 : vector<16xf32>
          %mul3A_212 = arith.constant 8 : i32
          %mul3A_213 = arith.muli %scan3A_136, %mul3A_212 : i32
          %add3A_214 = arith.constant 3 : i32
          %add3A_215 = arith.addi %mul3A_213, %add3A_214 : i32
          %get3A_216 = arith.index_cast %add3A_215 : i32 to index
          %get3A_217 = arith.constant 0 : index
          %get3A_218 = tpu.vector_load %arg6[%get3A_216, %get3A_217] {strides = array<i32>} : memref<200x128xf32, #tpu.memory_space<vmem>>, vector<1x16xf32>,
          %get3A_219 = vector.shape_cast %get3A_218 : vector<1x16xf32> to vector<16xf32>
          %add3A_220 = arith.addf %add3A_196, %get3A_219 : vector<16xf32>
          %get3A_221 = arith.index_cast %add3A_215 : i32 to index
          %get3A_222 = arith.constant 16 : index
          %get3A_223 = tpu.vector_load %arg6[%get3A_221, %get3A_222] {strides = array<i32>} : memref<200x128xf32, #tpu.memory_space<vmem>>, vector<1x16xf32>,
          %get3A_224 = vector.shape_cast %get3A_223 : vector<1x16xf32> to vector<16xf32>
          %add3A_225 = arith.addf %add3A_201, %get3A_224 : vector<16xf32>
          %get3A_226 = arith.index_cast %add3A_215 : i32 to index
          %get3A_227 = arith.constant 32 : index
          %get3A_228 = tpu.vector_load %arg6[%get3A_226, %get3A_227] {strides = array<i32>} : memref<200x128xf32, #tpu.memory_space<vmem>>, vector<1x16xf32>,
          %get3A_229 = vector.shape_cast %get3A_228 : vector<1x16xf32> to vector<16xf32>
          %add3A_230 = arith.addf %add3A_206, %get3A_229 : vector<16xf32>
          %get3A_231 = arith.index_cast %add3A_215 : i32 to index
          %get3A_232 = arith.constant 48 : index
          %get3A_233 = tpu.vector_load %arg6[%get3A_231, %get3A_232] {strides = array<i32>} : memref<200x128xf32, #tpu.memory_space<vmem>>, vector<1x16xf32>,
          %get3A_234 = vector.shape_cast %get3A_233 : vector<1x16xf32> to vector<16xf32>
          %add3A_235 = arith.addf %add3A_211, %get3A_234 : vector<16xf32>
          %mul3A_236 = arith.constant 8 : i32
          %mul3A_237 = arith.muli %scan3A_136, %mul3A_236 : i32
          %add3A_238 = arith.constant 4 : i32
          %add3A_239 = arith.addi %mul3A_237, %add3A_238 : i32
          %get3A_240 = arith.index_cast %add3A_239 : i32 to index
          %get3A_241 = arith.constant 0 : index
          %get3A_242 = tpu.vector_load %arg6[%get3A_240, %get3A_241] {strides = array<i32>} : memref<200x128xf32, #tpu.memory_space<vmem>>, vector<1x16xf32>,
          %get3A_243 = vector.shape_cast %get3A_242 : vector<1x16xf32> to vector<16xf32>
          %add3A_244 = arith.addf %add3A_220, %get3A_243 : vector<16xf32>
          %get3A_245 = arith.index_cast %add3A_239 : i32 to index
          %get3A_246 = arith.constant 16 : index
          %get3A_247 = tpu.vector_load %arg6[%get3A_245, %get3A_246] {strides = array<i32>} : memref<200x128xf32, #tpu.memory_space<vmem>>, vector<1x16xf32>,
          %get3A_248 = vector.shape_cast %get3A_247 : vector<1x16xf32> to vector<16xf32>
          %add3A_249 = arith.addf %add3A_225, %get3A_248 : vector<16xf32>
          %get3A_250 = arith.index_cast %add3A_239 : i32 to index
          %get3A_251 = arith.constant 32 : index
          %get3A_252 = tpu.vector_load %arg6[%get3A_250, %get3A_251] {strides = array<i32>} : memref<200x128xf32, #tpu.memory_space<vmem>>, vector<1x16xf32>,
          %get3A_253 = vector.shape_cast %get3A_252 : vector<1x16xf32> to vector<16xf32>
          %add3A_254 = arith.addf %add3A_230, %get3A_253 : vector<16xf32>
          %get3A_255 = arith.index_cast %add3A_239 : i32 to index
          %get3A_256 = arith.constant 48 : index
          %get3A_257 = tpu.vector_load %arg6[%get3A_255, %get3A_256] {strides = array<i32>} : memref<200x128xf32, #tpu.memory_space<vmem>>, vector<1x16xf32>,
          %get3A_258 = vector.shape_cast %get3A_257 : vector<1x16xf32> to vector<16xf32>
          %add3A_259 = arith.addf %add3A_235, %get3A_258 : vector<16xf32>
          %mul3A_260 = arith.constant 8 : i32
          %mul3A_261 = arith.muli %scan3A_136, %mul3A_260 : i32
          %add3A_262 = arith.constant 5 : i32
          %add3A_263 = arith.addi %mul3A_261, %add3A_262 : i32
          %get3A_264 = arith.index_cast %add3A_263 : i32 to index
          %get3A_265 = arith.constant 0 : index
          %get3A_266 = tpu.vector_load %arg6[%get3A_264, %get3A_265] {strides = array<i32>} : memref<200x128xf32, #tpu.memory_space<vmem>>, vector<1x16xf32>,
          %get3A_267 = vector.shape_cast %get3A_266 : vector<1x16xf32> to vector<16xf32>
          %add3A_268 = arith.addf %add3A_244, %get3A_267 : vector<16xf32>
          %get3A_269 = arith.index_cast %add3A_263 : i32 to index
          %get3A_270 = arith.constant 16 : index
          %get3A_271 = tpu.vector_load %arg6[%get3A_269, %get3A_270] {strides = array<i32>} : memref<200x128xf32, #tpu.memory_space<vmem>>, vector<1x16xf32>,
          %get3A_272 = vector.shape_cast %get3A_271 : vector<1x16xf32> to vector<16xf32>
          %add3A_273 = arith.addf %add3A_249, %get3A_272 : vector<16xf32>
          %get3A_274 = arith.index_cast %add3A_263 : i32 to index
          %get3A_275 = arith.constant 32 : index
          %get3A_276 = tpu.vector_load %arg6[%get3A_274, %get3A_275] {strides = array<i32>} : memref<200x128xf32, #tpu.memory_space<vmem>>, vector<1x16xf32>,
          %get3A_277 = vector.shape_cast %get3A_276 : vector<1x16xf32> to vector<16xf32>
          %add3A_278 = arith.addf %add3A_254, %get3A_277 : vector<16xf32>
          %get3A_279 = arith.index_cast %add3A_263 : i32 to index
          %get3A_280 = arith.constant 48 : index
          %get3A_281 = tpu.vector_load %arg6[%get3A_279, %get3A_280] {strides = array<i32>} : memref<200x128xf32, #tpu.memory_space<vmem>>, vector<1x16xf32>,
          %get3A_282 = vector.shape_cast %get3A_281 : vector<1x16xf32> to vector<16xf32>
          %add3A_283 = arith.addf %add3A_259, %get3A_282 : vector<16xf32>
          %mul3A_284 = arith.constant 8 : i32
          %mul3A_285 = arith.muli %scan3A_136, %mul3A_284 : i32
          %add3A_286 = arith.constant 6 : i32
          %add3A_287 = arith.addi %mul3A_285, %add3A_286 : i32
          %get3A_288 = arith.index_cast %add3A_287 : i32 to index
          %get3A_289 = arith.constant 0 : index
          %get3A_290 = tpu.vector_load %arg6[%get3A_288, %get3A_289] {strides = array<i32>} : memref<200x128xf32, #tpu.memory_space<vmem>>, vector<1x16xf32>,
          %get3A_291 = vector.shape_cast %get3A_290 : vector<1x16xf32> to vector<16xf32>
          %add3A_292 = arith.addf %add3A_268, %get3A_291 : vector<16xf32>
          %get3A_293 = arith.index_cast %add3A_287 : i32 to index
          %get3A_294 = arith.constant 16 : index
          %get3A_295 = tpu.vector_load %arg6[%get3A_293, %get3A_294] {strides = array<i32>} : memref<200x128xf32, #tpu.memory_space<vmem>>, vector<1x16xf32>,
          %get3A_296 = vector.shape_cast %get3A_295 : vector<1x16xf32> to vector<16xf32>
          %add3A_297 = arith.addf %add3A_273, %get3A_296 : vector<16xf32>
          %get3A_298 = arith.index_cast %add3A_287 : i32 to index
          %get3A_299 = arith.constant 32 : index
          %get3A_300 = tpu.vector_load %arg6[%get3A_298, %get3A_299] {strides = array<i32>} : memref<200x128xf32, #tpu.memory_space<vmem>>, vector<1x16xf32>,
          %get3A_301 = vector.shape_cast %get3A_300 : vector<1x16xf32> to vector<16xf32>
          %add3A_302 = arith.addf %add3A_278, %get3A_301 : vector<16xf32>
          %get3A_303 = arith.index_cast %add3A_287 : i32 to index
          %get3A_304 = arith.constant 48 : index
          %get3A_305 = tpu.vector_load %arg6[%get3A_303, %get3A_304] {strides = array<i32>} : memref<200x128xf32, #tpu.memory_space<vmem>>, vector<1x16xf32>,
          %get3A_306 = vector.shape_cast %get3A_305 : vector<1x16xf32> to vector<16xf32>
          %add3A_307 = arith.addf %add3A_283, %get3A_306 : vector<16xf32>
          %mul3A_308 = arith.constant 8 : i32
          %mul3A_309 = arith.muli %scan3A_136, %mul3A_308 : i32
          %add3A_310 = arith.constant 7 : i32
          %add3A_311 = arith.addi %mul3A_309, %add3A_310 : i32
          %get3A_312 = arith.index_cast %add3A_311 : i32 to index
          %get3A_313 = arith.constant 0 : index
          %get3A_314 = tpu.vector_load %arg6[%get3A_312, %get3A_313] {strides = array<i32>} : memref<200x128xf32, #tpu.memory_space<vmem>>, vector<1x16xf32>,
          %get3A_315 = vector.shape_cast %get3A_314 : vector<1x16xf32> to vector<16xf32>
          %add3A_316 = arith.addf %add3A_292, %get3A_315 : vector<16xf32>
          %get3A_317 = arith.index_cast %add3A_311 : i32 to index
          %get3A_318 = arith.constant 16 : index
          %get3A_319 = tpu.vector_load %arg6[%get3A_317, %get3A_318] {strides = array<i32>} : memref<200x128xf32, #tpu.memory_space<vmem>>, vector<1x16xf32>,
          %get3A_320 = vector.shape_cast %get3A_319 : vector<1x16xf32> to vector<16xf32>
          %add3A_321 = arith.addf %add3A_297, %get3A_320 : vector<16xf32>
          %get3A_322 = arith.index_cast %add3A_311 : i32 to index
          %get3A_323 = arith.constant 32 : index
          %get3A_324 = tpu.vector_load %arg6[%get3A_322, %get3A_323] {strides = array<i32>} : memref<200x128xf32, #tpu.memory_space<vmem>>, vector<1x16xf32>,
          %get3A_325 = vector.shape_cast %get3A_324 : vector<1x16xf32> to vector<16xf32>
          %add3A_326 = arith.addf %add3A_302, %get3A_325 : vector<16xf32>
          %get3A_327 = arith.index_cast %add3A_311 : i32 to index
          %get3A_328 = arith.constant 48 : index
          %get3A_329 = tpu.vector_load %arg6[%get3A_327, %get3A_328] {strides = array<i32>} : memref<200x128xf32, #tpu.memory_space<vmem>>, vector<1x16xf32>,
          %get3A_330 = vector.shape_cast %get3A_329 : vector<1x16xf32> to vector<16xf32>
          %add3A_331 = arith.addf %add3A_307, %get3A_330 : vector<16xf32>
          scf.yield %add3A_316, %add3A_321, %add3A_326, %add3A_331 : vector<16xf32>, vector<16xf32>, vector<16xf32>, vector<16xf32>
        }
        %scan3A_116 = arith.constant 25 : i32
        %swap3A = arith.index_cast %add3A_71 : i32 to index
        %swap3A_117 = arith.constant 0 : index
        %swap3A_118 = tpu.vector_load %arg9[%swap3A, %swap3A_117] {strides = array<i32>} : memref<128x64xf32, #tpu.memory_space<vmem>>, vector<1x16xf32>,
        %swap3A_119 = vector.shape_cast %swap3A_118 : vector<1x16xf32> to vector<16xf32>
        %swap3A_120 = vector.shape_cast %scan3A_115#0 : vector<16xf32> to vector<1x16xf32>
        tpu.vector_store %arg9[%swap3A, %swap3A_117], %swap3A_120 {strides = array<i32>} : memref<128x64xf32, #tpu.memory_space<vmem>>, vector<1x16xf32>,
        %swap3A_121 = arith.index_cast %add3A_71 : i32 to index
        %swap3A_122 = arith.constant 16 : index
        %swap3A_123 = tpu.vector_load %arg9[%swap3A_121, %swap3A_122] {strides = array<i32>} : memref<128x64xf32, #tpu.memory_space<vmem>>, vector<1x16xf32>,
        %swap3A_124 = vector.shape_cast %swap3A_123 : vector<1x16xf32> to vector<16xf32>
        %swap3A_125 = vector.shape_cast %scan3A_115#1 : vector<16xf32> to vector<1x16xf32>
        tpu.vector_store %arg9[%swap3A_121, %swap3A_122], %swap3A_125 {strides = array<i32>} : memref<128x64xf32, #tpu.memory_space<vmem>>, vector<1x16xf32>,
        %swap3A_126 = arith.index_cast %add3A_71 : i32 to index
        %swap3A_127 = arith.constant 32 : index
        %swap3A_128 = tpu.vector_load %arg9[%swap3A_126, %swap3A_127] {strides = array<i32>} : memref<128x64xf32, #tpu.memory_space<vmem>>, vector<1x16xf32>,
        %swap3A_129 = vector.shape_cast %swap3A_128 : vector<1x16xf32> to vector<16xf32>
        %swap3A_130 = vector.shape_cast %scan3A_115#2 : vector<16xf32> to vector<1x16xf32>
        tpu.vector_store %arg9[%swap3A_126, %swap3A_127], %swap3A_130 {strides = array<i32>} : memref<128x64xf32, #tpu.memory_space<vmem>>, vector<1x16xf32>,
        %swap3A_131 = arith.index_cast %add3A_71 : i32 to index
        %swap3A_132 = arith.constant 48 : index
        %swap3A_133 = tpu.vector_load %arg9[%swap3A_131, %swap3A_132] {strides = array<i32>} : memref<128x64xf32, #tpu.memory_space<vmem>>, vector<1x16xf32>,
        %swap3A_134 = vector.shape_cast %swap3A_133 : vector<1x16xf32> to vector<16xf32>
        %swap3A_135 = vector.shape_cast %scan3A_115#3 : vector<16xf32> to vector<1x16xf32>
        tpu.vector_store %arg9[%swap3A_131, %swap3A_132], %swap3A_135 {strides = array<i32>} : memref<128x64xf32, #tpu.memory_space<vmem>>, vector<1x16xf32>,
      } else {
      }
      %mul3A_74 = arith.constant 3 : i32
      %mul3A_75 = arith.muli %scan3A_67, %mul3A_74 : i32
      %add3A_76 = arith.constant 1 : i32
      %add3A_77 = arith.addi %mul3A_75, %add3A_76 : i32
      %lt3A_78 = arith.constant 128 : i32
      %lt3A_79 = arith.cmpi slt, %add3A_77, %lt3A_78 : i32
      %convert_element_type3A_80 = arith.extui %lt3A_79 : i1 to i32
      %cond3A_81 = arith.constant 0 : i32
      %cond3A_82 = arith.cmpi ne, %convert_element_type3A_80, %cond3A_81 : i32
      scf.if %cond3A_82 {
        %dma_wait3A = arith.constant 0 : i32
        %dma_wait3A_92 = arith.constant 0 : i32
        %dma_wait3A_93 = tpu.memref_slice %arg3[%dma_wait3A, %dma_wait3A_92] : memref<1000000x128xf32, #tpu.memory_space<hbm>> -> memref<200x128xf32, #tpu.memory_space<hbm>>
        %dma_wait3A_94 = arith.constant 0 : i32
        %dma_wait3A_95 = arith.constant 0 : i32
        %dma_wait3A_96 = tpu.memref_slice %arg3[%dma_wait3A_94, %dma_wait3A_95] : memref<1000000x128xf32, #tpu.memory_space<hbm>> -> memref<200x128xf32, #tpu.memory_space<hbm>>
        tpu.wait_dma2 semaphore(%arg11 : memref<!tpu.dma_semaphore, #tpu.memory_space<semaphore_mem>>) src(%dma_wait3A_96 : memref<200x128xf32, #tpu.memory_space<hbm>>) dst(%arg7 : memref<200x128xf32, #tpu.memory_space<vmem>>)
        %add3A_97 = arith.constant 3 : i32
        %add3A_98 = arith.addi %add3A_77, %add3A_97 : i32
        %lt3A_99 = arith.constant 128 : i32
        %lt3A_100 = arith.cmpi slt, %add3A_98, %lt3A_99 : i32
        %convert_element_type3A_101 = arith.extui %lt3A_100 : i1 to i32
        %cond3A_102 = arith.constant 0 : i32
        %cond3A_103 = arith.cmpi ne, %convert_element_type3A_101, %cond3A_102 : i32
        scf.if %cond3A_103 {
          %add3A_136 = arith.constant 3 : i32
          %add3A_137 = arith.addi %add3A_77, %add3A_136 : i32
          %dma_start3A_138 = arith.constant 0 : i32
          %dma_start3A_139 = arith.constant 0 : i32
          %dma_start3A_140 = tpu.memref_slice %arg7[%dma_start3A_138, %dma_start3A_139] : memref<200x128xf32, #tpu.memory_space<vmem>> -> memref<128x128xf32, #tpu.memory_space<vmem>>
          %dma_start3A_141 = arith.constant 0 : i32
          %dma_start3A_142 = tpu.memref_slice %arg5[%add3A_137, %dma_start3A_141] : memref<128x200xi32, #tpu.memory_space<vmem>> -> memref<1x128xi32, #tpu.memory_space<vmem>>
          %dma_start3A_143 = tpu.memref_squeeze %dma_start3A_142 : memref<1x128xi32, #tpu.memory_space<vmem>> -> memref<128xi32, #tpu.memory_space<vmem>>
          %dma_start3A_144 = arith.constant 0 : i32
          %dma_start3A_145 = arith.constant 0 : i32
          %dma_start3A_146 = tpu.memref_slice %arg3[%dma_start3A_144, %dma_start3A_145] : memref<1000000x128xf32, #tpu.memory_space<hbm>> -> memref<1000000x128xf32, #tpu.memory_space<hbm>>
          tpu.enqueue_indirect_dma source(%dma_start3A_146 : memref<1000000x128xf32, #tpu.memory_space<hbm>>) target(%dma_start3A_140 : memref<128x128xf32, #tpu.memory_space<vmem>>) offsets(%dma_start3A_143 : memref<128xi32, #tpu.memory_space<vmem>>) semaphore(%arg11 : memref<!tpu.dma_semaphore, #tpu.memory_space<semaphore_mem>>)
          %dma_start3A_147 = arith.constant 128 : i32
          %dma_start3A_148 = arith.constant 0 : i32
          %dma_start3A_149 = tpu.memref_slice %arg7[%dma_start3A_147, %dma_start3A_148] : memref<200x128xf32, #tpu.memory_space<vmem>> -> memref<72x128xf32, #tpu.memory_space<vmem>>
          %dma_start3A_150 = arith.constant 128 : i32
          %dma_start3A_151 = tpu.memref_slice %arg5[%add3A_137, %dma_start3A_150] : memref<128x200xi32, #tpu.memory_space<vmem>> -> memref<1x72xi32, #tpu.memory_space<vmem>>
          %dma_start3A_152 = tpu.memref_squeeze %dma_start3A_151 : memref<1x72xi32, #tpu.memory_space<vmem>> -> memref<72xi32, #tpu.memory_space<vmem>>
          %dma_start3A_153 = arith.constant 0 : i32
          %dma_start3A_154 = arith.constant 0 : i32
          %dma_start3A_155 = tpu.memref_slice %arg3[%dma_start3A_153, %dma_start3A_154] : memref<1000000x128xf32, #tpu.memory_space<hbm>> -> memref<1000000x128xf32, #tpu.memory_space<hbm>>
          tpu.enqueue_indirect_dma source(%dma_start3A_155 : memref<1000000x128xf32, #tpu.memory_space<hbm>>) target(%dma_start3A_149 : memref<72x128xf32, #tpu.memory_space<vmem>>) offsets(%dma_start3A_152 : memref<72xi32, #tpu.memory_space<vmem>>) semaphore(%arg11 : memref<!tpu.dma_semaphore, #tpu.memory_space<semaphore_mem>>)
        } else {
        }
        %broadcast_in_dim3A = arith.constant 0.000000e+00 : f32
        %broadcast_in_dim3A_104 = vector.broadcast %broadcast_in_dim3A : f32 to vector<16xf32>
        %broadcast_in_dim3A_105 = arith.constant 0.000000e+00 : f32
        %broadcast_in_dim3A_106 = vector.broadcast %broadcast_in_dim3A_105 : f32 to vector<16xf32>
        %broadcast_in_dim3A_107 = arith.constant 0.000000e+00 : f32
        %broadcast_in_dim3A_108 = vector.broadcast %broadcast_in_dim3A_107 : f32 to vector<16xf32>
        %broadcast_in_dim3A_109 = arith.constant 0.000000e+00 : f32
        %broadcast_in_dim3A_110 = vector.broadcast %broadcast_in_dim3A_109 : f32 to vector<16xf32>
        %scan3A_111 = arith.constant 0 : i32
        %scan3A_112 = arith.constant 25 : i32
        %scan3A_113 = arith.addi %scan3A_111, %scan3A_112 : i32
        %scan3A_114 = arith.constant 1 : i32
        %scan3A_115:4 = scf.for %scan3A_136 = %scan3A_111 to %scan3A_113 step %scan3A_114 iter_args(%scan3A_137 = %broadcast_in_dim3A_104, %scan3A_138 = %broadcast_in_dim3A_106, %scan3A_139 = %broadcast_in_dim3A_108, %scan3A_140 = %broadcast_in_dim3A_110) -> (vector<16xf32>, vector<16xf32>, vector<16xf32>, vector<16xf32>)  : i32 {
          %mul3A_141 = arith.constant 8 : i32
          %mul3A_142 = arith.muli %scan3A_136, %mul3A_141 : i32
          %add3A_143 = arith.constant 0 : i32
          %add3A_144 = arith.addi %mul3A_142, %add3A_143 : i32
          %get3A = arith.index_cast %add3A_144 : i32 to index
          %get3A_145 = arith.constant 0 : index
          %get3A_146 = tpu.vector_load %arg7[%get3A, %get3A_145] {strides = array<i32>} : memref<200x128xf32, #tpu.memory_space<vmem>>, vector<1x16xf32>,
          %get3A_147 = vector.shape_cast %get3A_146 : vector<1x16xf32> to vector<16xf32>
          %add3A_148 = arith.addf %scan3A_137, %get3A_147 : vector<16xf32>
          %get3A_149 = arith.index_cast %add3A_144 : i32 to index
          %get3A_150 = arith.constant 16 : index
          %get3A_151 = tpu.vector_load %arg7[%get3A_149, %get3A_150] {strides = array<i32>} : memref<200x128xf32, #tpu.memory_space<vmem>>, vector<1x16xf32>,
          %get3A_152 = vector.shape_cast %get3A_151 : vector<1x16xf32> to vector<16xf32>
          %add3A_153 = arith.addf %scan3A_138, %get3A_152 : vector<16xf32>
          %get3A_154 = arith.index_cast %add3A_144 : i32 to index
          %get3A_155 = arith.constant 32 : index
          %get3A_156 = tpu.vector_load %arg7[%get3A_154, %get3A_155] {strides = array<i32>} : memref<200x128xf32, #tpu.memory_space<vmem>>, vector<1x16xf32>,
          %get3A_157 = vector.shape_cast %get3A_156 : vector<1x16xf32> to vector<16xf32>
          %add3A_158 = arith.addf %scan3A_139, %get3A_157 : vector<16xf32>
          %get3A_159 = arith.index_cast %add3A_144 : i32 to index
          %get3A_160 = arith.constant 48 : index
          %get3A_161 = tpu.vector_load %arg7[%get3A_159, %get3A_160] {strides = array<i32>} : memref<200x128xf32, #tpu.memory_space<vmem>>, vector<1x16xf32>,
          %get3A_162 = vector.shape_cast %get3A_161 : vector<1x16xf32> to vector<16xf32>
          %add3A_163 = arith.addf %scan3A_140, %get3A_162 : vector<16xf32>
          %mul3A_164 = arith.constant 8 : i32
          %mul3A_165 = arith.muli %scan3A_136, %mul3A_164 : i32
          %add3A_166 = arith.constant 1 : i32
          %add3A_167 = arith.addi %mul3A_165, %add3A_166 : i32
          %get3A_168 = arith.index_cast %add3A_167 : i32 to index
          %get3A_169 = arith.constant 0 : index
          %get3A_170 = tpu.vector_load %arg7[%get3A_168, %get3A_169] {strides = array<i32>} : memref<200x128xf32, #tpu.memory_space<vmem>>, vector<1x16xf32>,
          %get3A_171 = vector.shape_cast %get3A_170 : vector<1x16xf32> to vector<16xf32>
          %add3A_172 = arith.addf %add3A_148, %get3A_171 : vector<16xf32>
          %get3A_173 = arith.index_cast %add3A_167 : i32 to index
          %get3A_174 = arith.constant 16 : index
          %get3A_175 = tpu.vector_load %arg7[%get3A_173, %get3A_174] {strides = array<i32>} : memref<200x128xf32, #tpu.memory_space<vmem>>, vector<1x16xf32>,
          %get3A_176 = vector.shape_cast %get3A_175 : vector<1x16xf32> to vector<16xf32>
          %add3A_177 = arith.addf %add3A_153, %get3A_176 : vector<16xf32>
          %get3A_178 = arith.index_cast %add3A_167 : i32 to index
          %get3A_179 = arith.constant 32 : index
          %get3A_180 = tpu.vector_load %arg7[%get3A_178, %get3A_179] {strides = array<i32>} : memref<200x128xf32, #tpu.memory_space<vmem>>, vector<1x16xf32>,
          %get3A_181 = vector.shape_cast %get3A_180 : vector<1x16xf32> to vector<16xf32>
          %add3A_182 = arith.addf %add3A_158, %get3A_181 : vector<16xf32>
          %get3A_183 = arith.index_cast %add3A_167 : i32 to index
          %get3A_184 = arith.constant 48 : index
          %get3A_185 = tpu.vector_load %arg7[%get3A_183, %get3A_184] {strides = array<i32>} : memref<200x128xf32, #tpu.memory_space<vmem>>, vector<1x16xf32>,
          %get3A_186 = vector.shape_cast %get3A_185 : vector<1x16xf32> to vector<16xf32>
          %add3A_187 = arith.addf %add3A_163, %get3A_186 : vector<16xf32>
          %mul3A_188 = arith.constant 8 : i32
          %mul3A_189 = arith.muli %scan3A_136, %mul3A_188 : i32
          %add3A_190 = arith.constant 2 : i32
          %add3A_191 = arith.addi %mul3A_189, %add3A_190 : i32
          %get3A_192 = arith.index_cast %add3A_191 : i32 to index
          %get3A_193 = arith.constant 0 : index
          %get3A_194 = tpu.vector_load %arg7[%get3A_192, %get3A_193] {strides = array<i32>} : memref<200x128xf32, #tpu.memory_space<vmem>>, vector<1x16xf32>,
          %get3A_195 = vector.shape_cast %get3A_194 : vector<1x16xf32> to vector<16xf32>
          %add3A_196 = arith.addf %add3A_172, %get3A_195 : vector<16xf32>
          %get3A_197 = arith.index_cast %add3A_191 : i32 to index
          %get3A_198 = arith.constant 16 : index
          %get3A_199 = tpu.vector_load %arg7[%get3A_197, %get3A_198] {strides = array<i32>} : memref<200x128xf32, #tpu.memory_space<vmem>>, vector<1x16xf32>,
          %get3A_200 = vector.shape_cast %get3A_199 : vector<1x16xf32> to vector<16xf32>
          %add3A_201 = arith.addf %add3A_177, %get3A_200 : vector<16xf32>
          %get3A_202 = arith.index_cast %add3A_191 : i32 to index
          %get3A_203 = arith.constant 32 : index
          %get3A_204 = tpu.vector_load %arg7[%get3A_202, %get3A_203] {strides = array<i32>} : memref<200x128xf32, #tpu.memory_space<vmem>>, vector<1x16xf32>,
          %get3A_205 = vector.shape_cast %get3A_204 : vector<1x16xf32> to vector<16xf32>
          %add3A_206 = arith.addf %add3A_182, %get3A_205 : vector<16xf32>
          %get3A_207 = arith.index_cast %add3A_191 : i32 to index
          %get3A_208 = arith.constant 48 : index
          %get3A_209 = tpu.vector_load %arg7[%get3A_207, %get3A_208] {strides = array<i32>} : memref<200x128xf32, #tpu.memory_space<vmem>>, vector<1x16xf32>,
          %get3A_210 = vector.shape_cast %get3A_209 : vector<1x16xf32> to vector<16xf32>
          %add3A_211 = arith.addf %add3A_187, %get3A_210 : vector<16xf32>
          %mul3A_212 = arith.constant 8 : i32
          %mul3A_213 = arith.muli %scan3A_136, %mul3A_212 : i32
          %add3A_214 = arith.constant 3 : i32
          %add3A_215 = arith.addi %mul3A_213, %add3A_214 : i32
          %get3A_216 = arith.index_cast %add3A_215 : i32 to index
          %get3A_217 = arith.constant 0 : index
          %get3A_218 = tpu.vector_load %arg7[%get3A_216, %get3A_217] {strides = array<i32>} : memref<200x128xf32, #tpu.memory_space<vmem>>, vector<1x16xf32>,
          %get3A_219 = vector.shape_cast %get3A_218 : vector<1x16xf32> to vector<16xf32>
          %add3A_220 = arith.addf %add3A_196, %get3A_219 : vector<16xf32>
          %get3A_221 = arith.index_cast %add3A_215 : i32 to index
          %get3A_222 = arith.constant 16 : index
          %get3A_223 = tpu.vector_load %arg7[%get3A_221, %get3A_222] {strides = array<i32>} : memref<200x128xf32, #tpu.memory_space<vmem>>, vector<1x16xf32>,
          %get3A_224 = vector.shape_cast %get3A_223 : vector<1x16xf32> to vector<16xf32>
          %add3A_225 = arith.addf %add3A_201, %get3A_224 : vector<16xf32>
          %get3A_226 = arith.index_cast %add3A_215 : i32 to index
          %get3A_227 = arith.constant 32 : index
          %get3A_228 = tpu.vector_load %arg7[%get3A_226, %get3A_227] {strides = array<i32>} : memref<200x128xf32, #tpu.memory_space<vmem>>, vector<1x16xf32>,
          %get3A_229 = vector.shape_cast %get3A_228 : vector<1x16xf32> to vector<16xf32>
          %add3A_230 = arith.addf %add3A_206, %get3A_229 : vector<16xf32>
          %get3A_231 = arith.index_cast %add3A_215 : i32 to index
          %get3A_232 = arith.constant 48 : index
          %get3A_233 = tpu.vector_load %arg7[%get3A_231, %get3A_232] {strides = array<i32>} : memref<200x128xf32, #tpu.memory_space<vmem>>, vector<1x16xf32>,
          %get3A_234 = vector.shape_cast %get3A_233 : vector<1x16xf32> to vector<16xf32>
          %add3A_235 = arith.addf %add3A_211, %get3A_234 : vector<16xf32>
          %mul3A_236 = arith.constant 8 : i32
          %mul3A_237 = arith.muli %scan3A_136, %mul3A_236 : i32
          %add3A_238 = arith.constant 4 : i32
          %add3A_239 = arith.addi %mul3A_237, %add3A_238 : i32
          %get3A_240 = arith.index_cast %add3A_239 : i32 to index
          %get3A_241 = arith.constant 0 : index
          %get3A_242 = tpu.vector_load %arg7[%get3A_240, %get3A_241] {strides = array<i32>} : memref<200x128xf32, #tpu.memory_space<vmem>>, vector<1x16xf32>,
          %get3A_243 = vector.shape_cast %get3A_242 : vector<1x16xf32> to vector<16xf32>
          %add3A_244 = arith.addf %add3A_220, %get3A_243 : vector<16xf32>
          %get3A_245 = arith.index_cast %add3A_239 : i32 to index
          %get3A_246 = arith.constant 16 : index
          %get3A_247 = tpu.vector_load %arg7[%get3A_245, %get3A_246] {strides = array<i32>} : memref<200x128xf32, #tpu.memory_space<vmem>>, vector<1x16xf32>,
          %get3A_248 = vector.shape_cast %get3A_247 : vector<1x16xf32> to vector<16xf32>
          %add3A_249 = arith.addf %add3A_225, %get3A_248 : vector<16xf32>
          %get3A_250 = arith.index_cast %add3A_239 : i32 to index
          %get3A_251 = arith.constant 32 : index
          %get3A_252 = tpu.vector_load %arg7[%get3A_250, %get3A_251] {strides = array<i32>} : memref<200x128xf32, #tpu.memory_space<vmem>>, vector<1x16xf32>,
          %get3A_253 = vector.shape_cast %get3A_252 : vector<1x16xf32> to vector<16xf32>
          %add3A_254 = arith.addf %add3A_230, %get3A_253 : vector<16xf32>
          %get3A_255 = arith.index_cast %add3A_239 : i32 to index
          %get3A_256 = arith.constant 48 : index
          %get3A_257 = tpu.vector_load %arg7[%get3A_255, %get3A_256] {strides = array<i32>} : memref<200x128xf32, #tpu.memory_space<vmem>>, vector<1x16xf32>,
          %get3A_258 = vector.shape_cast %get3A_257 : vector<1x16xf32> to vector<16xf32>
          %add3A_259 = arith.addf %add3A_235, %get3A_258 : vector<16xf32>
          %mul3A_260 = arith.constant 8 : i32
          %mul3A_261 = arith.muli %scan3A_136, %mul3A_260 : i32
          %add3A_262 = arith.constant 5 : i32
          %add3A_263 = arith.addi %mul3A_261, %add3A_262 : i32
          %get3A_264 = arith.index_cast %add3A_263 : i32 to index
          %get3A_265 = arith.constant 0 : index
          %get3A_266 = tpu.vector_load %arg7[%get3A_264, %get3A_265] {strides = array<i32>} : memref<200x128xf32, #tpu.memory_space<vmem>>, vector<1x16xf32>,
          %get3A_267 = vector.shape_cast %get3A_266 : vector<1x16xf32> to vector<16xf32>
          %add3A_268 = arith.addf %add3A_244, %get3A_267 : vector<16xf32>
          %get3A_269 = arith.index_cast %add3A_263 : i32 to index
          %get3A_270 = arith.constant 16 : index
          %get3A_271 = tpu.vector_load %arg7[%get3A_269, %get3A_270] {strides = array<i32>} : memref<200x128xf32, #tpu.memory_space<vmem>>, vector<1x16xf32>,
          %get3A_272 = vector.shape_cast %get3A_271 : vector<1x16xf32> to vector<16xf32>
          %add3A_273 = arith.addf %add3A_249, %get3A_272 : vector<16xf32>
          %get3A_274 = arith.index_cast %add3A_263 : i32 to index
          %get3A_275 = arith.constant 32 : index
          %get3A_276 = tpu.vector_load %arg7[%get3A_274, %get3A_275] {strides = array<i32>} : memref<200x128xf32, #tpu.memory_space<vmem>>, vector<1x16xf32>,
          %get3A_277 = vector.shape_cast %get3A_276 : vector<1x16xf32> to vector<16xf32>
          %add3A_278 = arith.addf %add3A_254, %get3A_277 : vector<16xf32>
          %get3A_279 = arith.index_cast %add3A_263 : i32 to index
          %get3A_280 = arith.constant 48 : index
          %get3A_281 = tpu.vector_load %arg7[%get3A_279, %get3A_280] {strides = array<i32>} : memref<200x128xf32, #tpu.memory_space<vmem>>, vector<1x16xf32>,
          %get3A_282 = vector.shape_cast %get3A_281 : vector<1x16xf32> to vector<16xf32>
          %add3A_283 = arith.addf %add3A_259, %get3A_282 : vector<16xf32>
          %mul3A_284 = arith.constant 8 : i32
          %mul3A_285 = arith.muli %scan3A_136, %mul3A_284 : i32
          %add3A_286 = arith.constant 6 : i32
          %add3A_287 = arith.addi %mul3A_285, %add3A_286 : i32
          %get3A_288 = arith.index_cast %add3A_287 : i32 to index
          %get3A_289 = arith.constant 0 : index
          %get3A_290 = tpu.vector_load %arg7[%get3A_288, %get3A_289] {strides = array<i32>} : memref<200x128xf32, #tpu.memory_space<vmem>>, vector<1x16xf32>,
          %get3A_291 = vector.shape_cast %get3A_290 : vector<1x16xf32> to vector<16xf32>
          %add3A_292 = arith.addf %add3A_268, %get3A_291 : vector<16xf32>
          %get3A_293 = arith.index_cast %add3A_287 : i32 to index
          %get3A_294 = arith.constant 16 : index
          %get3A_295 = tpu.vector_load %arg7[%get3A_293, %get3A_294] {strides = array<i32>} : memref<200x128xf32, #tpu.memory_space<vmem>>, vector<1x16xf32>,
          %get3A_296 = vector.shape_cast %get3A_295 : vector<1x16xf32> to vector<16xf32>
          %add3A_297 = arith.addf %add3A_273, %get3A_296 : vector<16xf32>
          %get3A_298 = arith.index_cast %add3A_287 : i32 to index
          %get3A_299 = arith.constant 32 : index
          %get3A_300 = tpu.vector_load %arg7[%get3A_298, %get3A_299] {strides = array<i32>} : memref<200x128xf32, #tpu.memory_space<vmem>>, vector<1x16xf32>,
          %get3A_301 = vector.shape_cast %get3A_300 : vector<1x16xf32> to vector<16xf32>
          %add3A_302 = arith.addf %add3A_278, %get3A_301 : vector<16xf32>
          %get3A_303 = arith.index_cast %add3A_287 : i32 to index
          %get3A_304 = arith.constant 48 : index
          %get3A_305 = tpu.vector_load %arg7[%get3A_303, %get3A_304] {strides = array<i32>} : memref<200x128xf32, #tpu.memory_space<vmem>>, vector<1x16xf32>,
          %get3A_306 = vector.shape_cast %get3A_305 : vector<1x16xf32> to vector<16xf32>
          %add3A_307 = arith.addf %add3A_283, %get3A_306 : vector<16xf32>
          %mul3A_308 = arith.constant 8 : i32
          %mul3A_309 = arith.muli %scan3A_136, %mul3A_308 : i32
          %add3A_310 = arith.constant 7 : i32
          %add3A_311 = arith.addi %mul3A_309, %add3A_310 : i32
          %get3A_312 = arith.index_cast %add3A_311 : i32 to index
          %get3A_313 = arith.constant 0 : index
          %get3A_314 = tpu.vector_load %arg7[%get3A_312, %get3A_313] {strides = array<i32>} : memref<200x128xf32, #tpu.memory_space<vmem>>, vector<1x16xf32>,
          %get3A_315 = vector.shape_cast %get3A_314 : vector<1x16xf32> to vector<16xf32>
          %add3A_316 = arith.addf %add3A_292, %get3A_315 : vector<16xf32>
          %get3A_317 = arith.index_cast %add3A_311 : i32 to index
          %get3A_318 = arith.constant 16 : index
          %get3A_319 = tpu.vector_load %arg7[%get3A_317, %get3A_318] {strides = array<i32>} : memref<200x128xf32, #tpu.memory_space<vmem>>, vector<1x16xf32>,
          %get3A_320 = vector.shape_cast %get3A_319 : vector<1x16xf32> to vector<16xf32>
          %add3A_321 = arith.addf %add3A_297, %get3A_320 : vector<16xf32>
          %get3A_322 = arith.index_cast %add3A_311 : i32 to index
          %get3A_323 = arith.constant 32 : index
          %get3A_324 = tpu.vector_load %arg7[%get3A_322, %get3A_323] {strides = array<i32>} : memref<200x128xf32, #tpu.memory_space<vmem>>, vector<1x16xf32>,
          %get3A_325 = vector.shape_cast %get3A_324 : vector<1x16xf32> to vector<16xf32>
          %add3A_326 = arith.addf %add3A_302, %get3A_325 : vector<16xf32>
          %get3A_327 = arith.index_cast %add3A_311 : i32 to index
          %get3A_328 = arith.constant 48 : index
          %get3A_329 = tpu.vector_load %arg7[%get3A_327, %get3A_328] {strides = array<i32>} : memref<200x128xf32, #tpu.memory_space<vmem>>, vector<1x16xf32>,
          %get3A_330 = vector.shape_cast %get3A_329 : vector<1x16xf32> to vector<16xf32>
          %add3A_331 = arith.addf %add3A_307, %get3A_330 : vector<16xf32>
          scf.yield %add3A_316, %add3A_321, %add3A_326, %add3A_331 : vector<16xf32>, vector<16xf32>, vector<16xf32>, vector<16xf32>
        }
        %scan3A_116 = arith.constant 25 : i32
        %swap3A = arith.index_cast %add3A_77 : i32 to index
        %swap3A_117 = arith.constant 0 : index
        %swap3A_118 = tpu.vector_load %arg9[%swap3A, %swap3A_117] {strides = array<i32>} : memref<128x64xf32, #tpu.memory_space<vmem>>, vector<1x16xf32>,
        %swap3A_119 = vector.shape_cast %swap3A_118 : vector<1x16xf32> to vector<16xf32>
        %swap3A_120 = vector.shape_cast %scan3A_115#0 : vector<16xf32> to vector<1x16xf32>
        tpu.vector_store %arg9[%swap3A, %swap3A_117], %swap3A_120 {strides = array<i32>} : memref<128x64xf32, #tpu.memory_space<vmem>>, vector<1x16xf32>,
        %swap3A_121 = arith.index_cast %add3A_77 : i32 to index
        %swap3A_122 = arith.constant 16 : index
        %swap3A_123 = tpu.vector_load %arg9[%swap3A_121, %swap3A_122] {strides = array<i32>} : memref<128x64xf32, #tpu.memory_space<vmem>>, vector<1x16xf32>,
        %swap3A_124 = vector.shape_cast %swap3A_123 : vector<1x16xf32> to vector<16xf32>
        %swap3A_125 = vector.shape_cast %scan3A_115#1 : vector<16xf32> to vector<1x16xf32>
        tpu.vector_store %arg9[%swap3A_121, %swap3A_122], %swap3A_125 {strides = array<i32>} : memref<128x64xf32, #tpu.memory_space<vmem>>, vector<1x16xf32>,
        %swap3A_126 = arith.index_cast %add3A_77 : i32 to index
        %swap3A_127 = arith.constant 32 : index
        %swap3A_128 = tpu.vector_load %arg9[%swap3A_126, %swap3A_127] {strides = array<i32>} : memref<128x64xf32, #tpu.memory_space<vmem>>, vector<1x16xf32>,
        %swap3A_129 = vector.shape_cast %swap3A_128 : vector<1x16xf32> to vector<16xf32>
        %swap3A_130 = vector.shape_cast %scan3A_115#2 : vector<16xf32> to vector<1x16xf32>
        tpu.vector_store %arg9[%swap3A_126, %swap3A_127], %swap3A_130 {strides = array<i32>} : memref<128x64xf32, #tpu.memory_space<vmem>>, vector<1x16xf32>,
        %swap3A_131 = arith.index_cast %add3A_77 : i32 to index
        %swap3A_132 = arith.constant 48 : index
        %swap3A_133 = tpu.vector_load %arg9[%swap3A_131, %swap3A_132] {strides = array<i32>} : memref<128x64xf32, #tpu.memory_space<vmem>>, vector<1x16xf32>,
        %swap3A_134 = vector.shape_cast %swap3A_133 : vector<1x16xf32> to vector<16xf32>
        %swap3A_135 = vector.shape_cast %scan3A_115#3 : vector<16xf32> to vector<1x16xf32>
        tpu.vector_store %arg9[%swap3A_131, %swap3A_132], %swap3A_135 {strides = array<i32>} : memref<128x64xf32, #tpu.memory_space<vmem>>, vector<1x16xf32>,
      } else {
      }
      %mul3A_83 = arith.constant 3 : i32
      %mul3A_84 = arith.muli %scan3A_67, %mul3A_83 : i32
      %add3A_85 = arith.constant 2 : i32
      %add3A_86 = arith.addi %mul3A_84, %add3A_85 : i32
      %lt3A_87 = arith.constant 128 : i32
      %lt3A_88 = arith.cmpi slt, %add3A_86, %lt3A_87 : i32
      %convert_element_type3A_89 = arith.extui %lt3A_88 : i1 to i32
      %cond3A_90 = arith.constant 0 : i32
      %cond3A_91 = arith.cmpi ne, %convert_element_type3A_89, %cond3A_90 : i32
      scf.if %cond3A_91 {
        %dma_wait3A = arith.constant 0 : i32
        %dma_wait3A_92 = arith.constant 0 : i32
        %dma_wait3A_93 = tpu.memref_slice %arg3[%dma_wait3A, %dma_wait3A_92] : memref<1000000x128xf32, #tpu.memory_space<hbm>> -> memref<200x128xf32, #tpu.memory_space<hbm>>
        %dma_wait3A_94 = arith.constant 0 : i32
        %dma_wait3A_95 = arith.constant 0 : i32
        %dma_wait3A_96 = tpu.memref_slice %arg3[%dma_wait3A_94, %dma_wait3A_95] : memref<1000000x128xf32, #tpu.memory_space<hbm>> -> memref<200x128xf32, #tpu.memory_space<hbm>>
        tpu.wait_dma2 semaphore(%arg12 : memref<!tpu.dma_semaphore, #tpu.memory_space<semaphore_mem>>) src(%dma_wait3A_96 : memref<200x128xf32, #tpu.memory_space<hbm>>) dst(%arg8 : memref<200x128xf32, #tpu.memory_space<vmem>>)
        %add3A_97 = arith.constant 3 : i32
        %add3A_98 = arith.addi %add3A_86, %add3A_97 : i32
        %lt3A_99 = arith.constant 128 : i32
        %lt3A_100 = arith.cmpi slt, %add3A_98, %lt3A_99 : i32
        %convert_element_type3A_101 = arith.extui %lt3A_100 : i1 to i32
        %cond3A_102 = arith.constant 0 : i32
        %cond3A_103 = arith.cmpi ne, %convert_element_type3A_101, %cond3A_102 : i32
        scf.if %cond3A_103 {
          %add3A_136 = arith.constant 3 : i32
          %add3A_137 = arith.addi %add3A_86, %add3A_136 : i32
          %dma_start3A_138 = arith.constant 0 : i32
          %dma_start3A_139 = arith.constant 0 : i32
          %dma_start3A_140 = tpu.memref_slice %arg8[%dma_start3A_138, %dma_start3A_139] : memref<200x128xf32, #tpu.memory_space<vmem>> -> memref<128x128xf32, #tpu.memory_space<vmem>>
          %dma_start3A_141 = arith.constant 0 : i32
          %dma_start3A_142 = tpu.memref_slice %arg5[%add3A_137, %dma_start3A_141] : memref<128x200xi32, #tpu.memory_space<vmem>> -> memref<1x128xi32, #tpu.memory_space<vmem>>
          %dma_start3A_143 = tpu.memref_squeeze %dma_start3A_142 : memref<1x128xi32, #tpu.memory_space<vmem>> -> memref<128xi32, #tpu.memory_space<vmem>>
          %dma_start3A_144 = arith.constant 0 : i32
          %dma_start3A_145 = arith.constant 0 : i32
          %dma_start3A_146 = tpu.memref_slice %arg3[%dma_start3A_144, %dma_start3A_145] : memref<1000000x128xf32, #tpu.memory_space<hbm>> -> memref<1000000x128xf32, #tpu.memory_space<hbm>>
          tpu.enqueue_indirect_dma source(%dma_start3A_146 : memref<1000000x128xf32, #tpu.memory_space<hbm>>) target(%dma_start3A_140 : memref<128x128xf32, #tpu.memory_space<vmem>>) offsets(%dma_start3A_143 : memref<128xi32, #tpu.memory_space<vmem>>) semaphore(%arg12 : memref<!tpu.dma_semaphore, #tpu.memory_space<semaphore_mem>>)
          %dma_start3A_147 = arith.constant 128 : i32
          %dma_start3A_148 = arith.constant 0 : i32
          %dma_start3A_149 = tpu.memref_slice %arg8[%dma_start3A_147, %dma_start3A_148] : memref<200x128xf32, #tpu.memory_space<vmem>> -> memref<72x128xf32, #tpu.memory_space<vmem>>
          %dma_start3A_150 = arith.constant 128 : i32
          %dma_start3A_151 = tpu.memref_slice %arg5[%add3A_137, %dma_start3A_150] : memref<128x200xi32, #tpu.memory_space<vmem>> -> memref<1x72xi32, #tpu.memory_space<vmem>>
          %dma_start3A_152 = tpu.memref_squeeze %dma_start3A_151 : memref<1x72xi32, #tpu.memory_space<vmem>> -> memref<72xi32, #tpu.memory_space<vmem>>
          %dma_start3A_153 = arith.constant 0 : i32
          %dma_start3A_154 = arith.constant 0 : i32
          %dma_start3A_155 = tpu.memref_slice %arg3[%dma_start3A_153, %dma_start3A_154] : memref<1000000x128xf32, #tpu.memory_space<hbm>> -> memref<1000000x128xf32, #tpu.memory_space<hbm>>
          tpu.enqueue_indirect_dma source(%dma_start3A_155 : memref<1000000x128xf32, #tpu.memory_space<hbm>>) target(%dma_start3A_149 : memref<72x128xf32, #tpu.memory_space<vmem>>) offsets(%dma_start3A_152 : memref<72xi32, #tpu.memory_space<vmem>>) semaphore(%arg12 : memref<!tpu.dma_semaphore, #tpu.memory_space<semaphore_mem>>)
        } else {
        }
        %broadcast_in_dim3A = arith.constant 0.000000e+00 : f32
        %broadcast_in_dim3A_104 = vector.broadcast %broadcast_in_dim3A : f32 to vector<16xf32>
        %broadcast_in_dim3A_105 = arith.constant 0.000000e+00 : f32
        %broadcast_in_dim3A_106 = vector.broadcast %broadcast_in_dim3A_105 : f32 to vector<16xf32>
        %broadcast_in_dim3A_107 = arith.constant 0.000000e+00 : f32
        %broadcast_in_dim3A_108 = vector.broadcast %broadcast_in_dim3A_107 : f32 to vector<16xf32>
        %broadcast_in_dim3A_109 = arith.constant 0.000000e+00 : f32
        %broadcast_in_dim3A_110 = vector.broadcast %broadcast_in_dim3A_109 : f32 to vector<16xf32>
        %scan3A_111 = arith.constant 0 : i32
        %scan3A_112 = arith.constant 25 : i32
        %scan3A_113 = arith.addi %scan3A_111, %scan3A_112 : i32
        %scan3A_114 = arith.constant 1 : i32
        %scan3A_115:4 = scf.for %scan3A_136 = %scan3A_111 to %scan3A_113 step %scan3A_114 iter_args(%scan3A_137 = %broadcast_in_dim3A_104, %scan3A_138 = %broadcast_in_dim3A_106, %scan3A_139 = %broadcast_in_dim3A_108, %scan3A_140 = %broadcast_in_dim3A_110) -> (vector<16xf32>, vector<16xf32>, vector<16xf32>, vector<16xf32>)  : i32 {
          %mul3A_141 = arith.constant 8 : i32
          %mul3A_142 = arith.muli %scan3A_136, %mul3A_141 : i32
          %add3A_143 = arith.constant 0 : i32
          %add3A_144 = arith.addi %mul3A_142, %add3A_143 : i32
          %get3A = arith.index_cast %add3A_144 : i32 to index
          %get3A_145 = arith.constant 0 : index
          %get3A_146 = tpu.vector_load %arg8[%get3A, %get3A_145] {strides = array<i32>} : memref<200x128xf32, #tpu.memory_space<vmem>>, vector<1x16xf32>,
          %get3A_147 = vector.shape_cast %get3A_146 : vector<1x16xf32> to vector<16xf32>
          %add3A_148 = arith.addf %scan3A_137, %get3A_147 : vector<16xf32>
          %get3A_149 = arith.index_cast %add3A_144 : i32 to index
          %get3A_150 = arith.constant 16 : index
          %get3A_151 = tpu.vector_load %arg8[%get3A_149, %get3A_150] {strides = array<i32>} : memref<200x128xf32, #tpu.memory_space<vmem>>, vector<1x16xf32>,
          %get3A_152 = vector.shape_cast %get3A_151 : vector<1x16xf32> to vector<16xf32>
          %add3A_153 = arith.addf %scan3A_138, %get3A_152 : vector<16xf32>
          %get3A_154 = arith.index_cast %add3A_144 : i32 to index
          %get3A_155 = arith.constant 32 : index
          %get3A_156 = tpu.vector_load %arg8[%get3A_154, %get3A_155] {strides = array<i32>} : memref<200x128xf32, #tpu.memory_space<vmem>>, vector<1x16xf32>,
          %get3A_157 = vector.shape_cast %get3A_156 : vector<1x16xf32> to vector<16xf32>
          %add3A_158 = arith.addf %scan3A_139, %get3A_157 : vector<16xf32>
          %get3A_159 = arith.index_cast %add3A_144 : i32 to index
          %get3A_160 = arith.constant 48 : index
          %get3A_161 = tpu.vector_load %arg8[%get3A_159, %get3A_160] {strides = array<i32>} : memref<200x128xf32, #tpu.memory_space<vmem>>, vector<1x16xf32>,
          %get3A_162 = vector.shape_cast %get3A_161 : vector<1x16xf32> to vector<16xf32>
          %add3A_163 = arith.addf %scan3A_140, %get3A_162 : vector<16xf32>
          %mul3A_164 = arith.constant 8 : i32
          %mul3A_165 = arith.muli %scan3A_136, %mul3A_164 : i32
          %add3A_166 = arith.constant 1 : i32
          %add3A_167 = arith.addi %mul3A_165, %add3A_166 : i32
          %get3A_168 = arith.index_cast %add3A_167 : i32 to index
          %get3A_169 = arith.constant 0 : index
          %get3A_170 = tpu.vector_load %arg8[%get3A_168, %get3A_169] {strides = array<i32>} : memref<200x128xf32, #tpu.memory_space<vmem>>, vector<1x16xf32>,
          %get3A_171 = vector.shape_cast %get3A_170 : vector<1x16xf32> to vector<16xf32>
          %add3A_172 = arith.addf %add3A_148, %get3A_171 : vector<16xf32>
          %get3A_173 = arith.index_cast %add3A_167 : i32 to index
          %get3A_174 = arith.constant 16 : index
          %get3A_175 = tpu.vector_load %arg8[%get3A_173, %get3A_174] {strides = array<i32>} : memref<200x128xf32, #tpu.memory_space<vmem>>, vector<1x16xf32>,
          %get3A_176 = vector.shape_cast %get3A_175 : vector<1x16xf32> to vector<16xf32>
          %add3A_177 = arith.addf %add3A_153, %get3A_176 : vector<16xf32>
          %get3A_178 = arith.index_cast %add3A_167 : i32 to index
          %get3A_179 = arith.constant 32 : index
          %get3A_180 = tpu.vector_load %arg8[%get3A_178, %get3A_179] {strides = array<i32>} : memref<200x128xf32, #tpu.memory_space<vmem>>, vector<1x16xf32>,
          %get3A_181 = vector.shape_cast %get3A_180 : vector<1x16xf32> to vector<16xf32>
          %add3A_182 = arith.addf %add3A_158, %get3A_181 : vector<16xf32>
          %get3A_183 = arith.index_cast %add3A_167 : i32 to index
          %get3A_184 = arith.constant 48 : index
          %get3A_185 = tpu.vector_load %arg8[%get3A_183, %get3A_184] {strides = array<i32>} : memref<200x128xf32, #tpu.memory_space<vmem>>, vector<1x16xf32>,
          %get3A_186 = vector.shape_cast %get3A_185 : vector<1x16xf32> to vector<16xf32>
          %add3A_187 = arith.addf %add3A_163, %get3A_186 : vector<16xf32>
          %mul3A_188 = arith.constant 8 : i32
          %mul3A_189 = arith.muli %scan3A_136, %mul3A_188 : i32
          %add3A_190 = arith.constant 2 : i32
          %add3A_191 = arith.addi %mul3A_189, %add3A_190 : i32
          %get3A_192 = arith.index_cast %add3A_191 : i32 to index
          %get3A_193 = arith.constant 0 : index
          %get3A_194 = tpu.vector_load %arg8[%get3A_192, %get3A_193] {strides = array<i32>} : memref<200x128xf32, #tpu.memory_space<vmem>>, vector<1x16xf32>,
          %get3A_195 = vector.shape_cast %get3A_194 : vector<1x16xf32> to vector<16xf32>
          %add3A_196 = arith.addf %add3A_172, %get3A_195 : vector<16xf32>
          %get3A_197 = arith.index_cast %add3A_191 : i32 to index
          %get3A_198 = arith.constant 16 : index
          %get3A_199 = tpu.vector_load %arg8[%get3A_197, %get3A_198] {strides = array<i32>} : memref<200x128xf32, #tpu.memory_space<vmem>>, vector<1x16xf32>,
          %get3A_200 = vector.shape_cast %get3A_199 : vector<1x16xf32> to vector<16xf32>
          %add3A_201 = arith.addf %add3A_177, %get3A_200 : vector<16xf32>
          %get3A_202 = arith.index_cast %add3A_191 : i32 to index
          %get3A_203 = arith.constant 32 : index
          %get3A_204 = tpu.vector_load %arg8[%get3A_202, %get3A_203] {strides = array<i32>} : memref<200x128xf32, #tpu.memory_space<vmem>>, vector<1x16xf32>,
          %get3A_205 = vector.shape_cast %get3A_204 : vector<1x16xf32> to vector<16xf32>
          %add3A_206 = arith.addf %add3A_182, %get3A_205 : vector<16xf32>
          %get3A_207 = arith.index_cast %add3A_191 : i32 to index
          %get3A_208 = arith.constant 48 : index
          %get3A_209 = tpu.vector_load %arg8[%get3A_207, %get3A_208] {strides = array<i32>} : memref<200x128xf32, #tpu.memory_space<vmem>>, vector<1x16xf32>,
          %get3A_210 = vector.shape_cast %get3A_209 : vector<1x16xf32> to vector<16xf32>
          %add3A_211 = arith.addf %add3A_187, %get3A_210 : vector<16xf32>
          %mul3A_212 = arith.constant 8 : i32
          %mul3A_213 = arith.muli %scan3A_136, %mul3A_212 : i32
          %add3A_214 = arith.constant 3 : i32
          %add3A_215 = arith.addi %mul3A_213, %add3A_214 : i32
          %get3A_216 = arith.index_cast %add3A_215 : i32 to index
          %get3A_217 = arith.constant 0 : index
          %get3A_218 = tpu.vector_load %arg8[%get3A_216, %get3A_217] {strides = array<i32>} : memref<200x128xf32, #tpu.memory_space<vmem>>, vector<1x16xf32>,
          %get3A_219 = vector.shape_cast %get3A_218 : vector<1x16xf32> to vector<16xf32>
          %add3A_220 = arith.addf %add3A_196, %get3A_219 : vector<16xf32>
          %get3A_221 = arith.index_cast %add3A_215 : i32 to index
          %get3A_222 = arith.constant 16 : index
          %get3A_223 = tpu.vector_load %arg8[%get3A_221, %get3A_222] {strides = array<i32>} : memref<200x128xf32, #tpu.memory_space<vmem>>, vector<1x16xf32>,
          %get3A_224 = vector.shape_cast %get3A_223 : vector<1x16xf32> to vector<16xf32>
          %add3A_225 = arith.addf %add3A_201, %get3A_224 : vector<16xf32>
          %get3A_226 = arith.index_cast %add3A_215 : i32 to index
          %get3A_227 = arith.constant 32 : index
          %get3A_228 = tpu.vector_load %arg8[%get3A_226, %get3A_227] {strides = array<i32>} : memref<200x128xf32, #tpu.memory_space<vmem>>, vector<1x16xf32>,
          %get3A_229 = vector.shape_cast %get3A_228 : vector<1x16xf32> to vector<16xf32>
          %add3A_230 = arith.addf %add3A_206, %get3A_229 : vector<16xf32>
          %get3A_231 = arith.index_cast %add3A_215 : i32 to index
          %get3A_232 = arith.constant 48 : index
          %get3A_233 = tpu.vector_load %arg8[%get3A_231, %get3A_232] {strides = array<i32>} : memref<200x128xf32, #tpu.memory_space<vmem>>, vector<1x16xf32>,
          %get3A_234 = vector.shape_cast %get3A_233 : vector<1x16xf32> to vector<16xf32>
          %add3A_235 = arith.addf %add3A_211, %get3A_234 : vector<16xf32>
          %mul3A_236 = arith.constant 8 : i32
          %mul3A_237 = arith.muli %scan3A_136, %mul3A_236 : i32
          %add3A_238 = arith.constant 4 : i32
          %add3A_239 = arith.addi %mul3A_237, %add3A_238 : i32
          %get3A_240 = arith.index_cast %add3A_239 : i32 to index
          %get3A_241 = arith.constant 0 : index
          %get3A_242 = tpu.vector_load %arg8[%get3A_240, %get3A_241] {strides = array<i32>} : memref<200x128xf32, #tpu.memory_space<vmem>>, vector<1x16xf32>,
          %get3A_243 = vector.shape_cast %get3A_242 : vector<1x16xf32> to vector<16xf32>
          %add3A_244 = arith.addf %add3A_220, %get3A_243 : vector<16xf32>
          %get3A_245 = arith.index_cast %add3A_239 : i32 to index
          %get3A_246 = arith.constant 16 : index
          %get3A_247 = tpu.vector_load %arg8[%get3A_245, %get3A_246] {strides = array<i32>} : memref<200x128xf32, #tpu.memory_space<vmem>>, vector<1x16xf32>,
          %get3A_248 = vector.shape_cast %get3A_247 : vector<1x16xf32> to vector<16xf32>
          %add3A_249 = arith.addf %add3A_225, %get3A_248 : vector<16xf32>
          %get3A_250 = arith.index_cast %add3A_239 : i32 to index
          %get3A_251 = arith.constant 32 : index
          %get3A_252 = tpu.vector_load %arg8[%get3A_250, %get3A_251] {strides = array<i32>} : memref<200x128xf32, #tpu.memory_space<vmem>>, vector<1x16xf32>,
          %get3A_253 = vector.shape_cast %get3A_252 : vector<1x16xf32> to vector<16xf32>
          %add3A_254 = arith.addf %add3A_230, %get3A_253 : vector<16xf32>
          %get3A_255 = arith.index_cast %add3A_239 : i32 to index
          %get3A_256 = arith.constant 48 : index
          %get3A_257 = tpu.vector_load %arg8[%get3A_255, %get3A_256] {strides = array<i32>} : memref<200x128xf32, #tpu.memory_space<vmem>>, vector<1x16xf32>,
          %get3A_258 = vector.shape_cast %get3A_257 : vector<1x16xf32> to vector<16xf32>
          %add3A_259 = arith.addf %add3A_235, %get3A_258 : vector<16xf32>
          %mul3A_260 = arith.constant 8 : i32
          %mul3A_261 = arith.muli %scan3A_136, %mul3A_260 : i32
          %add3A_262 = arith.constant 5 : i32
          %add3A_263 = arith.addi %mul3A_261, %add3A_262 : i32
          %get3A_264 = arith.index_cast %add3A_263 : i32 to index
          %get3A_265 = arith.constant 0 : index
          %get3A_266 = tpu.vector_load %arg8[%get3A_264, %get3A_265] {strides = array<i32>} : memref<200x128xf32, #tpu.memory_space<vmem>>, vector<1x16xf32>,
          %get3A_267 = vector.shape_cast %get3A_266 : vector<1x16xf32> to vector<16xf32>
          %add3A_268 = arith.addf %add3A_244, %get3A_267 : vector<16xf32>
          %get3A_269 = arith.index_cast %add3A_263 : i32 to index
          %get3A_270 = arith.constant 16 : index
          %get3A_271 = tpu.vector_load %arg8[%get3A_269, %get3A_270] {strides = array<i32>} : memref<200x128xf32, #tpu.memory_space<vmem>>, vector<1x16xf32>,
          %get3A_272 = vector.shape_cast %get3A_271 : vector<1x16xf32> to vector<16xf32>
          %add3A_273 = arith.addf %add3A_249, %get3A_272 : vector<16xf32>
          %get3A_274 = arith.index_cast %add3A_263 : i32 to index
          %get3A_275 = arith.constant 32 : index
          %get3A_276 = tpu.vector_load %arg8[%get3A_274, %get3A_275] {strides = array<i32>} : memref<200x128xf32, #tpu.memory_space<vmem>>, vector<1x16xf32>,
          %get3A_277 = vector.shape_cast %get3A_276 : vector<1x16xf32> to vector<16xf32>
          %add3A_278 = arith.addf %add3A_254, %get3A_277 : vector<16xf32>
          %get3A_279 = arith.index_cast %add3A_263 : i32 to index
          %get3A_280 = arith.constant 48 : index
          %get3A_281 = tpu.vector_load %arg8[%get3A_279, %get3A_280] {strides = array<i32>} : memref<200x128xf32, #tpu.memory_space<vmem>>, vector<1x16xf32>,
          %get3A_282 = vector.shape_cast %get3A_281 : vector<1x16xf32> to vector<16xf32>
          %add3A_283 = arith.addf %add3A_259, %get3A_282 : vector<16xf32>
          %mul3A_284 = arith.constant 8 : i32
          %mul3A_285 = arith.muli %scan3A_136, %mul3A_284 : i32
          %add3A_286 = arith.constant 6 : i32
          %add3A_287 = arith.addi %mul3A_285, %add3A_286 : i32
          %get3A_288 = arith.index_cast %add3A_287 : i32 to index
          %get3A_289 = arith.constant 0 : index
          %get3A_290 = tpu.vector_load %arg8[%get3A_288, %get3A_289] {strides = array<i32>} : memref<200x128xf32, #tpu.memory_space<vmem>>, vector<1x16xf32>,
          %get3A_291 = vector.shape_cast %get3A_290 : vector<1x16xf32> to vector<16xf32>
          %add3A_292 = arith.addf %add3A_268, %get3A_291 : vector<16xf32>
          %get3A_293 = arith.index_cast %add3A_287 : i32 to index
          %get3A_294 = arith.constant 16 : index
          %get3A_295 = tpu.vector_load %arg8[%get3A_293, %get3A_294] {strides = array<i32>} : memref<200x128xf32, #tpu.memory_space<vmem>>, vector<1x16xf32>,
          %get3A_296 = vector.shape_cast %get3A_295 : vector<1x16xf32> to vector<16xf32>
          %add3A_297 = arith.addf %add3A_273, %get3A_296 : vector<16xf32>
          %get3A_298 = arith.index_cast %add3A_287 : i32 to index
          %get3A_299 = arith.constant 32 : index
          %get3A_300 = tpu.vector_load %arg8[%get3A_298, %get3A_299] {strides = array<i32>} : memref<200x128xf32, #tpu.memory_space<vmem>>, vector<1x16xf32>,
          %get3A_301 = vector.shape_cast %get3A_300 : vector<1x16xf32> to vector<16xf32>
          %add3A_302 = arith.addf %add3A_278, %get3A_301 : vector<16xf32>
          %get3A_303 = arith.index_cast %add3A_287 : i32 to index
          %get3A_304 = arith.constant 48 : index
          %get3A_305 = tpu.vector_load %arg8[%get3A_303, %get3A_304] {strides = array<i32>} : memref<200x128xf32, #tpu.memory_space<vmem>>, vector<1x16xf32>,
          %get3A_306 = vector.shape_cast %get3A_305 : vector<1x16xf32> to vector<16xf32>
          %add3A_307 = arith.addf %add3A_283, %get3A_306 : vector<16xf32>
          %mul3A_308 = arith.constant 8 : i32
          %mul3A_309 = arith.muli %scan3A_136, %mul3A_308 : i32
          %add3A_310 = arith.constant 7 : i32
          %add3A_311 = arith.addi %mul3A_309, %add3A_310 : i32
          %get3A_312 = arith.index_cast %add3A_311 : i32 to index
          %get3A_313 = arith.constant 0 : index
          %get3A_314 = tpu.vector_load %arg8[%get3A_312, %get3A_313] {strides = array<i32>} : memref<200x128xf32, #tpu.memory_space<vmem>>, vector<1x16xf32>,
          %get3A_315 = vector.shape_cast %get3A_314 : vector<1x16xf32> to vector<16xf32>
          %add3A_316 = arith.addf %add3A_292, %get3A_315 : vector<16xf32>
          %get3A_317 = arith.index_cast %add3A_311 : i32 to index
          %get3A_318 = arith.constant 16 : index
          %get3A_319 = tpu.vector_load %arg8[%get3A_317, %get3A_318] {strides = array<i32>} : memref<200x128xf32, #tpu.memory_space<vmem>>, vector<1x16xf32>,
          %get3A_320 = vector.shape_cast %get3A_319 : vector<1x16xf32> to vector<16xf32>
          %add3A_321 = arith.addf %add3A_297, %get3A_320 : vector<16xf32>
          %get3A_322 = arith.index_cast %add3A_311 : i32 to index
          %get3A_323 = arith.constant 32 : index
          %get3A_324 = tpu.vector_load %arg8[%get3A_322, %get3A_323] {strides = array<i32>} : memref<200x128xf32, #tpu.memory_space<vmem>>, vector<1x16xf32>,
          %get3A_325 = vector.shape_cast %get3A_324 : vector<1x16xf32> to vector<16xf32>
          %add3A_326 = arith.addf %add3A_302, %get3A_325 : vector<16xf32>
          %get3A_327 = arith.index_cast %add3A_311 : i32 to index
          %get3A_328 = arith.constant 48 : index
          %get3A_329 = tpu.vector_load %arg8[%get3A_327, %get3A_328] {strides = array<i32>} : memref<200x128xf32, #tpu.memory_space<vmem>>, vector<1x16xf32>,
          %get3A_330 = vector.shape_cast %get3A_329 : vector<1x16xf32> to vector<16xf32>
          %add3A_331 = arith.addf %add3A_307, %get3A_330 : vector<16xf32>
          scf.yield %add3A_316, %add3A_321, %add3A_326, %add3A_331 : vector<16xf32>, vector<16xf32>, vector<16xf32>, vector<16xf32>
        }
        %scan3A_116 = arith.constant 25 : i32
        %swap3A = arith.index_cast %add3A_86 : i32 to index
        %swap3A_117 = arith.constant 0 : index
        %swap3A_118 = tpu.vector_load %arg9[%swap3A, %swap3A_117] {strides = array<i32>} : memref<128x64xf32, #tpu.memory_space<vmem>>, vector<1x16xf32>,
        %swap3A_119 = vector.shape_cast %swap3A_118 : vector<1x16xf32> to vector<16xf32>
        %swap3A_120 = vector.shape_cast %scan3A_115#0 : vector<16xf32> to vector<1x16xf32>
        tpu.vector_store %arg9[%swap3A, %swap3A_117], %swap3A_120 {strides = array<i32>} : memref<128x64xf32, #tpu.memory_space<vmem>>, vector<1x16xf32>,
        %swap3A_121 = arith.index_cast %add3A_86 : i32 to index
        %swap3A_122 = arith.constant 16 : index
        %swap3A_123 = tpu.vector_load %arg9[%swap3A_121, %swap3A_122] {strides = array<i32>} : memref<128x64xf32, #tpu.memory_space<vmem>>, vector<1x16xf32>,
        %swap3A_124 = vector.shape_cast %swap3A_123 : vector<1x16xf32> to vector<16xf32>
        %swap3A_125 = vector.shape_cast %scan3A_115#1 : vector<16xf32> to vector<1x16xf32>
        tpu.vector_store %arg9[%swap3A_121, %swap3A_122], %swap3A_125 {strides = array<i32>} : memref<128x64xf32, #tpu.memory_space<vmem>>, vector<1x16xf32>,
        %swap3A_126 = arith.index_cast %add3A_86 : i32 to index
        %swap3A_127 = arith.constant 32 : index
        %swap3A_128 = tpu.vector_load %arg9[%swap3A_126, %swap3A_127] {strides = array<i32>} : memref<128x64xf32, #tpu.memory_space<vmem>>, vector<1x16xf32>,
        %swap3A_129 = vector.shape_cast %swap3A_128 : vector<1x16xf32> to vector<16xf32>
        %swap3A_130 = vector.shape_cast %scan3A_115#2 : vector<16xf32> to vector<1x16xf32>
        tpu.vector_store %arg9[%swap3A_126, %swap3A_127], %swap3A_130 {strides = array<i32>} : memref<128x64xf32, #tpu.memory_space<vmem>>, vector<1x16xf32>,
        %swap3A_131 = arith.index_cast %add3A_86 : i32 to index
        %swap3A_132 = arith.constant 48 : index
        %swap3A_133 = tpu.vector_load %arg9[%swap3A_131, %swap3A_132] {strides = array<i32>} : memref<128x64xf32, #tpu.memory_space<vmem>>, vector<1x16xf32>,
        %swap3A_134 = vector.shape_cast %swap3A_133 : vector<1x16xf32> to vector<16xf32>
        %swap3A_135 = vector.shape_cast %scan3A_115#3 : vector<16xf32> to vector<1x16xf32>
        tpu.vector_store %arg9[%swap3A_131, %swap3A_132], %swap3A_135 {strides = array<i32>} : memref<128x64xf32, #tpu.memory_space<vmem>>, vector<1x16xf32>,
      } else {
      }
    }
    %scan3A_66 = arith.constant 43 : i32
    "tpu.region"() ({
      %run_scoped3A = tpu.sem_alloc : memref<!tpu.dma_semaphore, #tpu.memory_space<semaphore_mem>>
      %dma_start3A_67 = arith.constant 0 : i32
      %dma_start3A_68 = tpu.memref_slice %arg4[%mul3A_2, %dma_start3A_67] : memref<4096x64xf32, #tpu.memory_space<hbm>> -> memref<128x64xf32, #tpu.memory_space<hbm>>
      %dma_start3A_69 = arith.constant 0 : i32
      %dma_start3A_70 = tpu.memref_slice %arg4[%mul3A_2, %dma_start3A_69] : memref<4096x64xf32, #tpu.memory_space<hbm>> -> memref<128x64xf32, #tpu.memory_space<hbm>>
      tpu.enqueue_dma source(%arg9 : memref<128x64xf32, #tpu.memory_space<vmem>>) target(%dma_start3A_70 : memref<128x64xf32, #tpu.memory_space<hbm>>) target_semaphore(%run_scoped3A : memref<!tpu.dma_semaphore, #tpu.memory_space<semaphore_mem>>)
      %dma_wait3A = arith.constant 0 : i32
      %dma_wait3A_71 = tpu.memref_slice %arg4[%mul3A_2, %dma_wait3A] : memref<4096x64xf32, #tpu.memory_space<hbm>> -> memref<128x64xf32, #tpu.memory_space<hbm>>
      %dma_wait3A_72 = arith.constant 0 : i32
      %dma_wait3A_73 = tpu.memref_slice %arg4[%mul3A_2, %dma_wait3A_72] : memref<4096x64xf32, #tpu.memory_space<hbm>> -> memref<128x64xf32, #tpu.memory_space<hbm>>
      tpu.wait_dma2 semaphore(%run_scoped3A : memref<!tpu.dma_semaphore, #tpu.memory_space<semaphore_mem>>) src(%arg9 : memref<128x64xf32, #tpu.memory_space<vmem>>) dst(%dma_wait3A_73 : memref<128x64xf32, #tpu.memory_space<hbm>>)
      tpu.yield
    }) : () -> ()
    return
  }
}

module attributes {stable_mosaic.version = 14 : i64} {
  func.func @_detile_body(%arg0: i32, %arg1: memref<64x16384xf32, #tpu.memory_space<vmem>>, %arg2: memref<16384x128xf32, #tpu.memory_space<vmem>>) attributes {dimension_semantics = [#tpu.dimension_semantics<arbitrary>], iteration_bounds = array<i64: 62>, scalar_prefetch = 0 : i64, scratch_operands = 0 : i64, tpu.core_type = #tpu.core_type<tc>, window_params = [{transform_indices = @transform_0, window_bounds = array<i64: 64, 16384>}, {transform_indices = @transform_1, window_bounds = array<i64: 16384, 128>}]} {
    %get3A = arith.constant 0 : index
    %get3A_0 = arith.constant 0 : index
    %get3A_1 = vector.load %arg1[%get3A, %get3A_0] : memref<64x16384xf32, #tpu.memory_space<vmem>>, vector<64x16384xf32>
    %transpose3A = tpu.transpose %get3A_1, [1, 0] : vector<64x16384xf32> -> vector<16384x64xf32>
    %broadcast_in_dim3A = arith.constant 0.000000e+00 : f32
    %broadcast_in_dim3A_2 = vector.broadcast %broadcast_in_dim3A : f32 to vector<16384x64xf32>
    %concatenate3A = tpu.concatenate %transpose3A, %broadcast_in_dim3A_2 in 1 : vector<16384x64xf32>, vector<16384x64xf32> -> vector<16384x128xf32>
    %swap3A = arith.constant 0 : index
    %swap3A_3 = arith.constant 0 : index
    %swap3A_4 = vector.load %arg2[%swap3A, %swap3A_3] : memref<16384x128xf32, #tpu.memory_space<vmem>>, vector<16384x128xf32>
    tpu.vector_store %arg2[%swap3A, %swap3A_3], %concatenate3A {strides = array<i32>} : memref<16384x128xf32, #tpu.memory_space<vmem>>, vector<16384x128xf32>,
    return
  }
  func.func @transform_0(%arg0: i32) -> (i32, i32) {
    %c0_i32 = arith.constant 0 : i32
    %c0_i32_0 = arith.constant 0 : i32
    return %c0_i32, %arg0 : i32, i32
  }
  func.func @transform_1(%arg0: i32) -> (i32, i32) {
    %c0_i32 = arith.constant 0 : i32
    %c0_i32_0 = arith.constant 0 : i32
    return %arg0, %c0_i32 : i32, i32
  }
}

module attributes {stable_mosaic.version = 14 : i64} {
  func.func @_mlp_body(%arg0: memref<4096x64xf32, #tpu.memory_space<vmem>>, %arg1: memref<64x64xf32, #tpu.memory_space<vmem>>, %arg2: memref<1x64xf32, #tpu.memory_space<vmem>>, %arg3: memref<64x16xf32, #tpu.memory_space<vmem>>, %arg4: memref<1x16xf32, #tpu.memory_space<vmem>>, %arg5: memref<4096x16xf32, #tpu.memory_space<vmem>>) attributes {dimension_semantics = [], scalar_prefetch = 0 : i64, scratch_operands = 0 : i64, tpu.core_type = #tpu.core_type<tc>} {
    %get3A = arith.constant 0 : index
    %get3A_0 = arith.constant 0 : index
    %get3A_1 = vector.load %arg0[%get3A, %get3A_0] : memref<4096x64xf32, #tpu.memory_space<vmem>>, vector<4096x64xf32>
    %mul3A = arith.constant 5.000000e-03 : f32
    %mul3A_2 = vector.broadcast %mul3A : f32 to vector<4096x64xf32>
    %mul3A_3 = arith.mulf %get3A_1, %mul3A_2 : vector<4096x64xf32>
    %get3A_4 = arith.constant 0 : index
    %get3A_5 = arith.constant 0 : index
    %get3A_6 = vector.load %arg1[%get3A_4, %get3A_5] : memref<64x64xf32, #tpu.memory_space<vmem>>, vector<64x64xf32>
    %dot_general3A = arith.constant dense<0.000000e+00> : vector<4096x64xf32>
    %dot_general3A_7 = tpu.matmul %mul3A_3, %get3A_6, %dot_general3A {dimension_numbers = #tpu.dot_dimension_numbers<[1], [0], [0], [1], [0, 0, 1, 1], [], []>, transpose_lhs_hint = false} : vector<4096x64xf32>, vector<64x64xf32>, vector<4096x64xf32> -> vector<4096x64xf32>
    %get3A_8 = arith.constant 0 : index
    %get3A_9 = arith.constant 0 : index
    %get3A_10 = vector.load %arg2[%get3A_8, %get3A_9] : memref<1x64xf32, #tpu.memory_space<vmem>>, vector<1x64xf32>
    %add3A = vector.broadcast %get3A_10 : vector<1x64xf32> to vector<4096x64xf32>
    %add3A_11 = arith.addf %dot_general3A_7, %add3A : vector<4096x64xf32>
    %max3A = arith.constant 0.000000e+00 : f32
    %max3A_12 = vector.broadcast %max3A : f32 to vector<4096x64xf32>
    %max3A_13 = arith.maximumf %add3A_11, %max3A_12 : vector<4096x64xf32>
    %get3A_14 = arith.constant 0 : index
    %get3A_15 = arith.constant 0 : index
    %get3A_16 = vector.load %arg3[%get3A_14, %get3A_15] : memref<64x16xf32, #tpu.memory_space<vmem>>, vector<64x16xf32>
    %dot_general3A_17 = arith.constant dense<0.000000e+00> : vector<4096x16xf32>
    %dot_general3A_18 = tpu.matmul %max3A_13, %get3A_16, %dot_general3A_17 {dimension_numbers = #tpu.dot_dimension_numbers<[1], [0], [0], [1], [0, 0, 1, 1], [], []>, transpose_lhs_hint = false} : vector<4096x64xf32>, vector<64x16xf32>, vector<4096x16xf32> -> vector<4096x16xf32>
    %get3A_19 = arith.constant 0 : index
    %get3A_20 = arith.constant 0 : index
    %get3A_21 = vector.load %arg4[%get3A_19, %get3A_20] : memref<1x16xf32, #tpu.memory_space<vmem>>, vector<1x16xf32>
    %add3A_22 = vector.broadcast %get3A_21 : vector<1x16xf32> to vector<4096x16xf32>
    %add3A_23 = arith.addf %dot_general3A_18, %add3A_22 : vector<4096x16xf32>
    %swap3A = arith.constant 0 : index
    %swap3A_24 = arith.constant 0 : index
    %swap3A_25 = vector.load %arg5[%swap3A, %swap3A_24] : memref<4096x16xf32, #tpu.memory_space<vmem>>, vector<4096x16xf32>
    tpu.vector_store %arg5[%swap3A, %swap3A_24], %add3A_23 {strides = array<i32>} : memref<4096x16xf32, #tpu.memory_space<vmem>>, vector<4096x16xf32>,
    return
  }
}

</mosaic_0001>

<sc_bundles>
// kernel: kernel.5.cloned.1.call-start
scs
__scs_entry_jumppad:
0x0: {  	(pc) =	sbr.rel $0x88, $3  }
0x1: {  	(tag) =	ssettag $0x0;
	lr =	simm.s32 $0x1  }
0x2: {  	[smem:$0x3F95] =	sst lr;
	_ =	strace $0xD0000000  }
0x3: {  	_ = 	snop  }
0x4: {  	_ = 	snop  }
0x5: {  	_ = 	snop  }
0x6: {  	_ = 	snop  }
0x7: {  	_ = 	snop  }
__scs_overlays_trampoline_lowered:
0x8: {  	[smem:$0x3FA4] =	sst s0  }
0x9: {  	[smem:$0x3FA5] =	sst s1  }
0xa: {  	[smem:$0x3FA6] =	sst s2  }
0xb: {  	[smem:$0x3FA7] =	sst s3  }
0xc: {  	[smem:$0x3FA8] =	sst s4  }
0xd: {  	[smem:$0x3FA9] =	sst s5  }
0xe: {  	[smem:$0x3FAA] =	sst s6  }
0xf: {  	[smem:$0x3FAB] =	sst s7  }
0x10: {  	[smem:$0x3FAC] =	sst s8  }
0x11: {  	[smem:$0x3FAD] =	sst s9;
	s0 =	simm.s32 @!p0 $0x0  }
0x12: {  	s1 =	sld [smem:$0x3F93];
	s0 =	simm.s32 @p0 $0x1  }
0x13: {  	[smem:$0x3FAE] =	sst s0;
	s0 =	simm.s32 @!p1 $0x0  }
0x14: {  	s2 =	sld [smem:$0x3F92];
	s0 =	simm.s32 @p1 $0x1  }
0x15: {  	[smem:$0x3FAF] =	sst s0;
	s0 =	simm.s32 @!p2 $0x0  }
0x16: {  	s3 =	sld [smem:$0x3FDB];
	s0 =	simm.s32 @p2 $0x1  }
0x17: {  	s4 =	simm.s32 $0x1BF5;
	[smem:$0x3FB1] =	sst s0  }
0x18: {  	s0 =	sld [smem:$0x3F94];
	_ =	swait.ge [sflag:s4], $0x0  }
0x19: {  	s7 =	sld [smem:$0x3F95]  }
0x1a: {  	s8 =	sadd.s32 $0xFFFFE003, lr  }
0x1b: {  	s9 =	sadd.s32 $0xFFFFFEF7, lr;
	s5 =	simm.s32 $0xFFFFFFFF;
	p2 =	slt.u32 s8, $0xFFFFF086  }
0x1c: {  	p1 =	slt.u32 s9, $0xF7A;
	s5 =	simm.s32 @!p2 $0x0  }
0x1d: {  	s5 =	simm.s32 @p1 $0x1;
	p0 =	seq.s32 s7, s2  }
0x1e: {  	s7 =	smul.u32 @!p0 $0xF7A, s2;
	p2 =	seq.s32 @!p0 s5, $0x0  }
0x1f: {  	s9 =	smul.u32 $0xF7A, s1;
	s8 =	simm.s32 @!p0 $0x1BF5;
	p2 =	por !p2, p0  }
0x20: {  	[sflag:s8] =	ssyncset.s32 @!p0 $0xFFFFF086;
	s6 =	sadd.s32 @!p0 s3, s7;
	s7 =	simm.s32 @!p0 $0x108  }
0x21: {  	s3 =	sadd.s32 s3, s9;
	s6 =	sadd.s32 @!p0 $0x88, s6;
	s7 =	simm.s32 @p2 $0x1082  }
0x22: {  	[simem:s7], [sflag:s8] =	dma.local @!p0 [hbm:s6], $0xF7A  }
0x23: {  	s9 =	sor.u32 $0xD0000000, s2;
	s6 =	simm.s32 $0x108;
	_ =	swait.ge @!p0 [sflag:s8], $0x0  }
0x24: {  	s3 =	sadd.s32 $0x88, s3;
	s6 =	simm.s32 @!p1 $0x1082;
	[sflag:s4] =	ssyncset.s32 $0xFFFFF086  }
0x25: {  	[simem:s6], [sflag:s4] =	dma.local [hbm:s3], $0xF7A  }
0x26: {  	[smem:$0x3F95] =	sst s1;
	(tag) =	ssettag s2;
	_ =	strace s9  }
0x27: {  	s1 =	sld [smem:$0x3FA5]  }
0x28: {  	s2 =	sld [smem:$0x3FA6]  }
0x29: {  	s4 =	sld [smem:$0x3FA8]  }
0x2a: {  	p0 =	seq.s32 s5, $0x0;
	s5 =	sld [smem:$0x3FA9]  }
0x2b: {  	s6 =	sld [smem:$0x3FAA]  }
0x2c: {  	s7 =	sld [smem:$0x3FAB]  }
0x2d: {  	s3 =	simm.s32 $0x108;
	s8 =	sld [smem:$0x3FAC]  }
0x2e: {  	s3 =	simm.s32 @!p0 $0x1082;
	s9 =	sld [smem:$0x3FAD]  }
0x2f: {  	lr =	sadd.s32 s0, s3;
	s0 =	sld [smem:$0x3FA4]  }
0x30: {  	s3 =	sld [smem:$0x3FA7]  }
0x31: {  	[smem:$0x3FB0] =	sst s10  }
0x32: {  	s10 =	sld [smem:$0x3FAE];
	_ =	sdelay $0x3  }
0x33: {  	p0 =	seq.s32 s10, $0x1;
	s10 =	sld [smem:$0x3FB0];
	_ =	sdelay $0x3  }
0x34: {  	[smem:$0x3FB0] =	sst s10  }
0x35: {  	s10 =	sld [smem:$0x3FAF];
	_ =	sdelay $0x3  }
0x36: {  	p1 =	seq.s32 s10, $0x1;
	s10 =	sld [smem:$0x3FB0];
	_ =	sdelay $0x3  }
0x37: {  	[smem:$0x3FB0] =	sst s10  }
0x38: {  	s10 =	sld [smem:$0x3FB1]  }
0x39: {  	_ = 	snop;
	(pc) =	sbr.ind lr, $3  }
0x3a: {  	_ = 	snop  }
0x3b: {  	_ = 	snop  }
0x3c: {  	p2 =	seq.s32 s10, $0x1;
	s10 =	sld [smem:$0x3FB0]  }
0x3d: {  	_ =	shalt  }
0x3e: {  	_ =	shalt  }
0x3f: {  	_ =	shalt  }
0x40: {  	_ =	shalt  }
0x41: {  	_ =	shalt  }
0x42: {  	_ =	shalt  }
0x43: {  	_ =	shalt  }
0x44: {  	_ =	shalt  }
0x45: {  	_ =	shalt  }
0x46: {  	_ =	shalt  }
0x47: {  	_ =	shalt  }
0x48: {  	_ =	shalt  }
0x49: {  	_ =	shalt  }
0x4a: {  	_ =	shalt  }
0x4b: {  	_ =	shalt  }
0x4c: {  	_ =	shalt  }
0x4d: {  	_ =	shalt  }
0x4e: {  	_ =	shalt  }
0x4f: {  	_ =	shalt  }
0x50: {  	_ =	shalt  }
0x51: {  	_ =	shalt  }
0x52: {  	_ =	shalt  }
0x53: {  	_ =	shalt  }
0x54: {  	_ =	shalt  }
0x55: {  	_ =	shalt  }
0x56: {  	_ =	shalt  }
0x57: {  	_ =	shalt  }
0x58: {  	_ =	shalt  }
0x59: {  	_ =	shalt  }
0x5a: {  	_ =	shalt  }
0x5b: {  	_ =	shalt  }
0x5c: {  	_ =	shalt  }
0x5d: {  	_ =	shalt  }
0x5e: {  	_ =	shalt  }
0x5f: {  	_ =	shalt  }
0x60: {  	_ =	shalt  }
0x61: {  	_ =	shalt  }
0x62: {  	_ =	shalt  }
0x63: {  	_ =	shalt  }
0x64: {  	_ =	shalt  }
0x65: {  	_ =	shalt  }
0x66: {  	_ =	shalt  }
0x67: {  	_ =	shalt  }
0x68: {  	_ =	shalt  }
0x69: {  	_ =	shalt  }
0x6a: {  	_ =	shalt  }
0x6b: {  	_ =	shalt  }
0x6c: {  	_ =	shalt  }
0x6d: {  	_ =	shalt  }
0x6e: {  	_ =	shalt  }
0x6f: {  	_ =	shalt  }
0x70: {  	_ =	shalt  }
0x71: {  	_ =	shalt  }
0x72: {  	_ =	shalt  }
0x73: {  	_ =	shalt  }
0x74: {  	_ =	shalt  }
0x75: {  	_ =	shalt  }
0x76: {  	_ =	shalt  }
0x77: {  	_ =	shalt  }
0x78: {  	_ =	shalt  }
0x79: {  	_ =	shalt  }
0x7a: {  	_ =	shalt  }
0x7b: {  	_ =	shalt  }
0x7c: {  	_ =	shalt  }
0x7d: {  	_ =	shalt  }
0x7e: {  	_ =	shalt  }
0x7f: {  	_ =	shalt  }
0x80: {  	_ =	shalt  }
0x81: {  	_ =	shalt  }
0x82: {  	_ =	shalt  }
0x83: {  	_ =	shalt  }
0x84: {  	_ =	shalt  }
0x85: {  	_ =	shalt  }
0x86: {  	_ =	shalt  }
0x87: {  	_ =	shalt  }
.Lfunc_end0:
.L_simem_size_0:
called_computation_lowered:
.L_overlay_start_0:
0x88: {  	s2 =	sld [smem:$0x3FD9]  }
0x89: {  	s3 =	sld [smem:$0x3FFE];
	_ =	sdelay $0x1  }
0x8a: {  	s1 =	srdreg.scid  }
0x8b: {  	s0 =	sand.u32 $0x1, s1  }
0x8c: {  	s16 =	sshll.u32 s0, $0xA;
	s2 =	sadd.s32 s3, s2  }
0x8d: {  	s2 =	sadd.s32 s2, s16  }
0x8e: {  	[smem:$0x3FBC] =	sst s2  }
0x8f: {  	_ = 	snop  }
0x90: {  	(tm) =	ssettm $0x1  }
0x91: {  	s17 =	sld [smem:$0x3FFB];
	_ =	sdelay $0x3  }
0x92: {  	_ =	strace s17  }
0x93: {  	s2 =	sld [smem:$0x3FFC];
	_ =	sdelay $0x3  }
0x94: {  	_ =	strace s2  }
0x95: {  	s2 =	sld [smem:$0x3FFD];
	_ =	sdelay $0x3  }
0x96: {  	_ =	strace s2  }
0x97: {  	_ =	strace $0x8FFFFFFF  }
0x98: {  	s18 =	sld [smem:$0x3FDB];
	_ =	sdelay $0x1  }
0x99: {  	s19 =	simm.s32 $_scs_section_size  }
0x9a: {  	s4 =	simm.s32 $_size__tile_overlayer_lowered;
	s5 =	simm.s32 $_tile_overlayer_lowered  }
0x9b: {  	s22 =	simm.s32 $0x1BFF;
	s21 =	sshll.u32 s5, $0x1;
	s2 =	sadd.s32 s19, s18  }
0x9c: {  	s6 =	simm.s32 $0x0;
	s20 =	sshll.u32 s4, $0x1;
	s4 =	sadd.s32 s21, s2  }
0x9d: {  	[timem:s6], [sflag:s22] =	dma.local [hbm:s4], s20  }
0x9e: {  	_ =	swait.ge [sflag:s22], s20  }
0x9f: {  	s3 =	ssub.s32 $0x0, s20;
	[sflag:s22] =	ssyncset.done $0x0  }
0xa0: {  	[sflag:s22] =	ssyncadd.s32 s3;
	_ =	sdelay $0x1  }
0xa1: {  	s23 =	simm.s32 $0x1B8B  }
0xa2: {  	_ =	swait.ge [sflag:s23], $0x1  }
0xa3: {  	[sflag:s23] =	ssyncset.done $0x0  }
0xa4: {  	s25 =	simm.s32 $0x1B8E;
	s24 =	sld [smem:$0x3FFE];
	[sflag:s23] =	ssyncadd.s32 $0xFFFFFFFF  }
0xa5: {  	s26 =	simm.s32 $execute0_lowered;
	[smem:$0x3FD2] =	sst s25  }
0xa6: {  	s4 =	sshll.u32 s26, $0x1;
	_ =	strace $0x80000046;
	[dreg:$0x1] =	wrdreg $0xFFFFFFFF  }
0xa7: {  	s28 =	simm.s32 $_size_execute0_lowered;
	s2 =	sadd.s32 s2, s4;
	[dreg:$0x0] =	wrdreg $0x0  }
0xa8: {  	s4 =	sshll.u32 s28, $0x1;
	[dreg:$0x2] =	wrdreg s2  }
0xa9: {  	[dreg:$0x3] =	wrdreg s4  }
0xaa: {  	[dreg:$0x4] =	wrdreg $0xC0  }
0xab: {  	_ =	task [dreg:s6], $0x5FFFF  }
0xac: {  	[dreg:$0x1] =	wrdreg $0xFFFFFFFF  }
0xad: {  	[dreg:$0x0] =	wrdreg $0x60  }
0xae: {  	[dreg:$0x2] =	wrdreg s24  }
0xaf: {  	[dreg:$0x3] =	wrdreg $0x9  }
0xb0: {  	_ =	task.clear_ibuf [dreg:s6], $0x4FFFF;
	_ =	strace $0x90000046  }
0xb1: {  	s29 =	simm.s32 $0x9;
	_ =	strace $0x80000048  }
0xb2: {  	_ =	swait.ge [sflag:s29], $0x1  }
0xb3: {  	[sflag:s29] =	ssyncadd.s32 $0xFFFFFFFF  }
0xb4: {  	_ =	strace $0x90000048  }
0xb5: {  	_ =	sfence  }
0xb6: {  	s30 =	sld [smem:$0x0];
	_ =	sdelay $0x2  }
0xb7: {  	s31 =	sshll.u32 s1, $0xD;
	s1 =	sshrl.u32 s1, $0x2  }
0xb8: {  	s3 =	sand.u32 $0x4000, s31;
	s1 =	sadd.s32 s1, s30  }
0xb9: {  	s0 =	sor.u32 s3, s0;
	s1 =	sshll.u32 s1, $0x11  }
0xba: {  	s0 =	sor.u32 s1, s0  }
0xbb: {  	s0 =	sadd.s32 $0x8F2B, s0  }
0xbc: {  	[sflag:s0] =	ssyncadd.remote.s32 $0x1  }
0xbd: {  	_ =	sfence.sel $0xFFFF  }
0xbe: {  	[dreg:$0x0] =	wrdreg $0xFFFFFFFF;
	(pc) =	sbr.abs _section_cstart, $3  }
0xbf: {  	[dreg:$0x1] =	wrdreg $0xFFFFFFFF  }
0xc0: {  	_ =	task.clear_ibuf [dreg:s6], $0x2FFFF;
	_ =	strace $0x9FFFFFFF  }
0xc1: {  	(tm) =	ssettm $0x7FFFFFFF  }
tec
execute0_lowered:
.L_overlay_start_1:
0x0: {  	(tag) =	ssettag $0x1  }
0x1: {  	s1 =	srdreg.scid;
	s0 =	stileid.u32  }
0x2: {  	s4 =	rddreg [dreg:$0x0];
	s2 =	simm.s32 $0x0;
	s9 =	simm.s32 $0x6400  }
0x3: {  	s10 =	simm.s32 $0x48;
	s11 =	simm.s32 $0xA400;
	s12 =	simm.s32 $0xC8  }
0x4: {  	s13 =	simm.s32 $0xC800;
	s14 =	simm.s32 $0x148;
	s15 =	simm.s32 $0x10800  }
0x5: {  	s16 =	simm.s32 $0x190;
	s17 =	simm.s32 $0x12C00;
	s18 =	simm.s32 $0x210  }
0x6: {  	s19 =	simm.s32 $0x16C00;
	s20 =	simm.s32 $0x1;
	s21 =	simm.s32 $0x2  }
0x7: {  	s22 =	simm.s32 $0x19000;
	s23 =	simm.s32 $0x3;
	s24 =	simm.s32 $0x0  }
0x8: {  	s3 =	sand.u32 $0x1, s1;
	s5 =	sshll.u32 s0, $0x8;
	[smem:$0x7FF] =	sst s2  }
0x9: {  	s1 =	rddreg [dreg:$0x1];
	s6 =	sshll.u32 s3, $0x7;
	_ =	strace $0x80000047  }
.Ltmp0:
0xa: {  	s7 =	ssub.s32 $0x2, s3;
	s5 =	sor.u32 s6, s5;
	(pc) =	sbr.rel .LBB2_1-.Ltmp0, $4  }
0xb: {  	s8 =	sshrl.u32 s7, $0x1;
	s6 =	smul.u32 $0x19, s5;
	s5 =	sshll.u32 s5, $0x3  }
0xc: {  	s3 =	sadd.s32 $0x1AA00, s4;
	s7 =	ssub.s32 s7, s8;
	s5 =	sadd.s32 s5, s4  }
0xd: {  	s8 =	simm.s32 $0x80;
	s6 =	sadd.s32 s6, s4;
	s5 =	sadd.s32 $0xF5CE00, s5  }
0xe: {  	s4 =	sadd.s32 $0x1A00, s6;
	s6 =	smax.u32 s7, $0x1;
	s7 =	simm.s32 $0x4  }
.LBB2_10:
0xf: {  	s24 =	sadd.s32 $0x1, s24  }
0x10: {  	p0 =	sne.s32 s24, s6  }
.Ltmp1:
0x11: {  	_ = 	snop;
	(pc) =	sbr.rel @!p0 .LBB2_11-.Ltmp1, $4  }
0x12: {  	[hbm4b:s5+s2] =	stream.linear.scatter [tilespmem:s22], [sflag:$0x4], $0x2000, $0x38;
	[tilespmem:$0x1B000] =	vst v63  }
0x13: {  	_ =	swait.ge [sflag:s7], $0x2000  }
0x14: {  	[sflag:s7] =	ssyncset.done $0x0  }
0x15: {  	[sflag:s7] =	ssyncadd.s32 $0xFFFFE000  }
.LBB2_1:
0x16: {  	[tilespmem:s2], [sflag:$0x4] =	stream.linear.gather [hbm4b:s4+s2], $0x6400, $0x38;
	[tilespmem:$0x1B000] =	vst v63  }
0x17: {  	_ =	swait.ge [sflag:s7], $0x6400  }
0x18: {  	[sflag:s7] =	ssyncset.done $0x0  }
0x19: {  	[sflag:s7] =	ssyncadd.s32 $0xFFFF9C00  }
0x1a: {  	[tilespmem:s9], [sflag:$0x1] =	stream.indirect.gather [hbm4b:s3+s8], $0x80, s2, s8, $0xb8;
	[tilespmem:$0x1B000] =	vst v63  }
0x1b: {  	_ = 	snop  }
0x1c: {  	[tilespmem:s11], [sflag:$0x1] =	stream.indirect.gather [hbm4b:s3+s10], $0x80, s8, s10, $0xb8;
	[tilespmem:$0x1B000] =	vst v63  }
0x1d: {  	_ = 	snop  }
0x1e: {  	[tilespmem:s13], [sflag:$0x2] =	stream.indirect.gather [hbm4b:s3+s8], $0x80, s12, s8, $0xb8;
	[tilespmem:$0x1B000] =	vst v63  }
0x1f: {  	_ = 	snop  }
0x20: {  	[tilespmem:s15], [sflag:$0x2] =	stream.indirect.gather [hbm4b:s3+s10], $0x80, s14, s10, $0xb8;
	[tilespmem:$0x1B000] =	vst v63  }
0x21: {  	_ = 	snop  }
0x22: {  	[tilespmem:s17], [sflag:$0x3] =	stream.indirect.gather [hbm4b:s3+s8], $0x80, s16, s8, $0xb8;
	[tilespmem:$0x1B000] =	vst v63  }
0x23: {  	s25 =	simm.s32 $0x0  }
0x24: {  	[tilespmem:s19], [sflag:$0x3] =	stream.indirect.gather [hbm4b:s3+s10], $0x80, s18, s10, $0xb8;
	[tilespmem:$0x1B000] =	vst v63  }
.LBB2_2:
0x25: {  	p0 =	seq.s32 s25, $0x2A  }
0x26: {  	s26 =	smul.u32 @!p0 $0x960, s25  }
0x27: {  	_ =	swait.ge [sflag:s20], $0x6400  }
0x28: {  	[sflag:s20] =	ssyncset.done $0x0;
	s29 =	simm.s32 @!p0 $0x80;
	s28 =	sshra.s32 @!p0 s26, $0x2  }
0x29: {  	s30 =	simm.s32 @!p0 $0x6400;
	[sflag:s20] =	ssyncadd.s32 $0xFFFF9C00;
	s26 =	sadd.s32 @!p0 $0x258, s28  }
0x2a: {  	[tilespmem:s30], [sflag:$0x1] =	stream.indirect.gather @!p0 [hbm4b:s3+s29], $0x80, s26, s29, $0xb8;
	[tilespmem:$0x1B000] =	vst v63  }
0x2b: {  	s26 =	sadd.s32 @!p0 $0x2D8, s28;
	s29 =	simm.s32 @!p0 $0x48;
	s30 =	simm.s32 @!p0 $0xA400  }
0x2c: {  	[tilespmem:s30], [sflag:$0x1] =	stream.indirect.gather @!p0 [hbm4b:s3+s29], $0x80, s26, s29, $0xb8;
	[tilespmem:$0x1B000] =	vst v63  }
0x2d: {  	s26 =	simm.s32 $0x0  }
0x2e: {  	v0 =	vld [tilespmem:s26+$0x6780]  }
0x2f: {  	v1 =	vld [tilespmem:s26+$0x6790]  }
0x30: {  	v2 =	vld [tilespmem:s26+$0x6700]  }
0x31: {  	v3 =	vld [tilespmem:s26+$0x6710]  }
0x32: {  	v4 =	vld [tilespmem:s26+$0x6680]  }
0x33: {  	v5 =	vld [tilespmem:s26+$0x6690]  }
0x34: {  	v6 =	vld [tilespmem:s26+$0x6600]  }
0x35: {  	v7 =	vld [tilespmem:s26+$0x6610]  }
0x36: {  	v9 =	vld [tilespmem:s26+$0x6580]  }
0x37: {  	v8 =	vld [tilespmem:s26+$0x6590]  }
0x38: {  	v11 =	vld [tilespmem:s26+$0x6500]  }
0x39: {  	v10 =	vld [tilespmem:s26+$0x6510]  }
0x3a: {  	v17 =	vld [tilespmem:s26+$0x6480]  }
0x3b: {  	v16 =	vld [tilespmem:s26+$0x6490]  }
0x3c: {  	v19 =	vld [tilespmem:s26+$0x6400]  }
0x3d: {  	v12 =	vimm.f32 $0.0e+00;
	v20 =	vld [tilespmem:s26+$0x6410]  }
0x3e: {  	v15 =	vimm.f32 $0.0e+00;
	v14 =	vimm.f32 $0.0e+00;
	v13 =	vimm.f32 $0.0e+00;
	s29 =	simm.s32 $0x1000;
	v18 =	vld [tilespmem:s26+$0x6420]  }
.LBB2_3:
0x3f: {  	p1 =	sne.s32 s29, $0x18000;
	v21 =	vld [tilespmem:s26+$0x6430]  }
0x40: {  	v22 =	vld [tilespmem:s26+$0x64A0]  }
0x41: {  	v23 =	vld [tilespmem:s26+$0x64B0]  }
0x42: {  	v24 =	vld [tilespmem:s26+$0x6520]  }
0x43: {  	v12 =	vadd.f32 v19, v12;
	v15 =	vadd.f32 v20, v15;
	v19 =	vld [tilespmem:s26+$0x6530]  }
0x44: {  	v14 =	vadd.f32 v18, v14;
	v13 =	vadd.f32 v21, v13;
	v18 =	vld [tilespmem:s26+$0x65A0]  }
0x45: {  	v12 =	vadd.f32 v17, v12;
	v15 =	vadd.f32 v16, v15;
	v16 =	vld [tilespmem:s26+$0x65B0]  }
0x46: {  	v14 =	vadd.f32 v22, v14;
	v13 =	vadd.f32 v23, v13;
	v17 =	vld [tilespmem:s26+$0x6620]  }
0x47: {  	v11 =	vadd.f32 v11, v12;
	v10 =	vadd.f32 v10, v15;
	v12 =	vld [tilespmem:s26+$0x6630]  }
0x48: {  	v14 =	vadd.f32 v24, v14;
	v13 =	vadd.f32 v19, v13;
	v15 =	vld [tilespmem:s26+$0x66A0]  }
0x49: {  	v9 =	vadd.f32 v9, v11;
	v8 =	vadd.f32 v8, v10;
	v10 =	vld [tilespmem:s26+$0x66B0]  }
0x4a: {  	v11 =	vadd.f32 v18, v14;
	v13 =	vadd.f32 v16, v13;
	v14 =	vld [tilespmem:s26+$0x6720]  }
0x4b: {  	v6 =	vadd.f32 v6, v9;
	v7 =	vadd.f32 v7, v8;
	v8 =	vld [tilespmem:s26+$0x6730]  }
0x4c: {  	v9 =	vadd.f32 v17, v11;
	v11 =	vadd.f32 v12, v13;
	v13 =	vld [tilespmem:s26+$0x67A0]  }
0x4d: {  	v4 =	vadd.f32 v4, v6;
	v5 =	vadd.f32 v5, v7;
	v6 =	vld [tilespmem:s26+$0x67B0];
	s26 =	sshra.s32 s29, $0x2  }
0x4e: {  	v9 =	vadd.f32 v15, v9;
	v7 =	vld [tilespmem:s26+$0x6780];
	v10 =	vadd.f32 v10, v11  }
0x4f: {  	v4 =	vadd.f32 v2, v4;
	v5 =	vadd.f32 v3, v5;
	v11 =	vld [tilespmem:s26+$0x6790]  }
0x50: {  	v9 =	vadd.f32 v14, v9;
	v2 =	vld [tilespmem:s26+$0x6700];
	v8 =	vadd.f32 v8, v10  }
0x51: {  	v12 =	vadd.f32 v0, v4;
	v15 =	vadd.f32 v1, v5;
	v3 =	vld [tilespmem:s26+$0x6710]  }
0x52: {  	v14 =	vadd.f32 v13, v9;
	v4 =	vld [tilespmem:s26+$0x6680];
	v13 =	vadd.f32 v6, v8  }
0x53: {  	v5 =	vld [tilespmem:s26+$0x6690];
	v0 =	vmov v7  }
0x54: {  	v6 =	vld [tilespmem:s26+$0x6600];
	v1 =	vmov v11  }
0x55: {  	v7 =	vld [tilespmem:s26+$0x6610]  }
0x56: {  	v9 =	vld [tilespmem:s26+$0x6580]  }
0x57: {  	v8 =	vld [tilespmem:s26+$0x6590]  }
0x58: {  	v11 =	vld [tilespmem:s26+$0x6500]  }
0x59: {  	v10 =	vld [tilespmem:s26+$0x6510]  }
.Ltmp2:
0x5a: {  	v17 =	vld [tilespmem:s26+$0x6480];
	(pc) =	sbr.rel @p1 .LBB2_3-.Ltmp2, $4  }
0x5b: {  	v16 =	vld [tilespmem:s26+$0x6490]  }
0x5c: {  	v19 =	vld [tilespmem:s26+$0x6400]  }
0x5d: {  	v20 =	vld [tilespmem:s26+$0x6410]  }
0x5e: {  	s29 =	sadd.s32 $0x1000, s29;
	v18 =	vld [tilespmem:s26+$0x6420]  }
0x5f: {  	v21 =	vld [tilespmem:s26+$0x6430]  }
0x60: {  	v22 =	vld [tilespmem:s26+$0x64A0]  }
0x61: {  	v23 =	vld [tilespmem:s26+$0x64B0];
	v12 =	vadd.f32 v19, v12  }
0x62: {  	v19 =	vld [tilespmem:s26+$0x6520];
	v15 =	vadd.f32 v20, v15  }
0x63: {  	v20 =	vld [tilespmem:s26+$0x6530];
	v14 =	vadd.f32 v18, v14;
	v12 =	vadd.f32 v17, v12  }
0x64: {  	v17 =	vld [tilespmem:s26+$0x65A0];
	v13 =	vadd.f32 v21, v13;
	v15 =	vadd.f32 v16, v15  }
0x65: {  	v16 =	vld [tilespmem:s26+$0x65B0];
	v14 =	vadd.f32 v22, v14;
	v11 =	vadd.f32 v11, v12  }
0x66: {  	v12 =	vadd.f32 v23, v13;
	v13 =	vld [tilespmem:s26+$0x6620];
	v10 =	vadd.f32 v10, v15  }
0x67: {  	v15 =	vld [tilespmem:s26+$0x6630];
	v14 =	vadd.f32 v19, v14;
	v9 =	vadd.f32 v9, v11  }
0x68: {  	v11 =	vadd.f32 v20, v12;
	v12 =	vld [tilespmem:s26+$0x66A0];
	v8 =	vadd.f32 v8, v10  }
0x69: {  	v10 =	vld [tilespmem:s26+$0x66B0];
	v14 =	vadd.f32 v17, v14;
	v6 =	vadd.f32 v6, v9  }
0x6a: {  	v9 =	vadd.f32 v16, v11;
	v11 =	vld [tilespmem:s26+$0x6720];
	v7 =	vadd.f32 v7, v8  }
0x6b: {  	v8 =	vld [tilespmem:s26+$0x6730];
	v13 =	vadd.f32 v13, v14;
	v4 =	vadd.f32 v4, v6  }
0x6c: {  	v6 =	vadd.f32 v15, v9;
	v9 =	vld [tilespmem:s26+$0x67A0];
	v5 =	vadd.f32 v5, v7  }
0x6d: {  	v7 =	vld [tilespmem:s26+$0x67B0];
	v12 =	vadd.f32 v12, v13;
	v2 =	vadd.f32 v2, v4  }
0x6e: {  	s31 =	smul.u32 $0x300, s25;
	v4 =	vadd.f32 v10, v6;
	v3 =	vadd.f32 v3, v5  }
0x6f: {  	v5 =	vadd.f32 v11, v12;
	v0 =	vadd.f32 v0, v2  }
0x70: {  	s26 =	sshra.s32 s31, $0x2;
	v2 =	vadd.f32 v8, v4;
	v1 =	vadd.f32 v1, v3  }
0x71: {  	v3 =	vadd.f32 v9, v5;
	[tilespmem:s26+$0x19000] =	vst v0  }
0x72: {  	v0 =	vadd.f32 v7, v2;
	[tilespmem:s26+$0x19010] =	vst v1  }
0x73: {  	[tilespmem:s26+$0x19020] =	vst v3  }
0x74: {  	[tilespmem:s26+$0x19030] =	vst v0  }
0x75: {  	_ =	swait.ge [sflag:s21], $0x6400  }
0x76: {  	s29 =	sadd.s32 @!p0 $0x320, s28;
	[sflag:s21] =	ssyncset.done $0x0  }
0x77: {  	s30 =	simm.s32 @!p0 $0x80;
	s31 =	simm.s32 @!p0 $0xC800;
	[sflag:s21] =	ssyncadd.s32 $0xFFFF9C00  }
0x78: {  	[tilespmem:s31], [sflag:$0x2] =	stream.indirect.gather @!p0 [hbm4b:s3+s30], $0x80, s29, s30, $0xb8;
	[tilespmem:$0x1B000] =	vst v63  }
0x79: {  	s28 =	sadd.s32 @!p0 $0x3A0, s28;
	s29 =	simm.s32 @!p0 $0x48;
	s30 =	simm.s32 @!p0 $0x10800  }
0x7a: {  	[tilespmem:s30], [sflag:$0x2] =	stream.indirect.gather @!p0 [hbm4b:s3+s29], $0x80, s28, s29, $0xb8;
	[tilespmem:$0x1B000] =	vst v63  }
0x7b: {  	s28 =	simm.s32 $0x0  }
0x7c: {  	v0 =	vld [tilespmem:s28+$0xCB80]  }
0x7d: {  	v1 =	vld [tilespmem:s28+$0xCB90]  }
0x7e: {  	v2 =	vld [tilespmem:s28+$0xCB00]  }
0x7f: {  	v3 =	vld [tilespmem:s28+$0xCB10]  }
0x80: {  	v4 =	vld [tilespmem:s28+$0xCA80]  }
0x81: {  	v5 =	vld [tilespmem:s28+$0xCA90]  }
0x82: {  	v6 =	vld [tilespmem:s28+$0xCA00]  }
0x83: {  	v7 =	vld [tilespmem:s28+$0xCA10]  }
0x84: {  	v9 =	vld [tilespmem:s28+$0xC980]  }
0x85: {  	v8 =	vld [tilespmem:s28+$0xC990]  }
0x86: {  	v11 =	vld [tilespmem:s28+$0xC900]  }
0x87: {  	v10 =	vld [tilespmem:s28+$0xC910]  }
0x88: {  	v17 =	vld [tilespmem:s28+$0xC880]  }
0x89: {  	v16 =	vld [tilespmem:s28+$0xC890]  }
0x8a: {  	v19 =	vld [tilespmem:s28+$0xC800]  }
0x8b: {  	v14 =	vimm.f32 $0.0e+00;
	v20 =	vld [tilespmem:s28+$0xC810]  }
0x8c: {  	v15 =	vimm.f32 $0.0e+00;
	v13 =	vimm.f32 $0.0e+00;
	v12 =	vimm.f32 $0.0e+00;
	s29 =	simm.s32 $0x1000;
	v18 =	vld [tilespmem:s28+$0xC820]  }
.LBB2_5:
0x8d: {  	p1 =	sne.s32 s29, $0x18000;
	v21 =	vld [tilespmem:s28+$0xC830]  }
0x8e: {  	v22 =	vld [tilespmem:s28+$0xC8A0]  }
0x8f: {  	v23 =	vld [tilespmem:s28+$0xC8B0]  }
0x90: {  	v24 =	vld [tilespmem:s28+$0xC920]  }
0x91: {  	v12 =	vadd.f32 v19, v12;
	v15 =	vadd.f32 v20, v15;
	v19 =	vld [tilespmem:s28+$0xC930]  }
0x92: {  	v14 =	vadd.f32 v18, v14;
	v13 =	vadd.f32 v21, v13;
	v18 =	vld [tilespmem:s28+$0xC9A0]  }
0x93: {  	v12 =	vadd.f32 v17, v12;
	v15 =	vadd.f32 v16, v15;
	v16 =	vld [tilespmem:s28+$0xC9B0]  }
0x94: {  	v14 =	vadd.f32 v22, v14;
	v13 =	vadd.f32 v23, v13;
	v17 =	vld [tilespmem:s28+$0xCA20]  }
0x95: {  	v11 =	vadd.f32 v11, v12;
	v10 =	vadd.f32 v10, v15;
	v12 =	vld [tilespmem:s28+$0xCA30]  }
0x96: {  	v14 =	vadd.f32 v24, v14;
	v13 =	vadd.f32 v19, v13;
	v15 =	vld [tilespmem:s28+$0xCAA0]  }
0x97: {  	v9 =	vadd.f32 v9, v11;
	v8 =	vadd.f32 v8, v10;
	v10 =	vld [tilespmem:s28+$0xCAB0]  }
0x98: {  	v11 =	vadd.f32 v18, v14;
	v13 =	vadd.f32 v16, v13;
	v14 =	vld [tilespmem:s28+$0xCB20]  }
0x99: {  	v6 =	vadd.f32 v6, v9;
	v7 =	vadd.f32 v7, v8;
	v8 =	vld [tilespmem:s28+$0xCB30]  }
0x9a: {  	v9 =	vadd.f32 v17, v11;
	v11 =	vadd.f32 v12, v13;
	v13 =	vld [tilespmem:s28+$0xCBA0]  }
0x9b: {  	v4 =	vadd.f32 v4, v6;
	v5 =	vadd.f32 v5, v7;
	v6 =	vld [tilespmem:s28+$0xCBB0];
	s28 =	sshra.s32 s29, $0x2  }
0x9c: {  	v9 =	vadd.f32 v15, v9;
	v7 =	vld [tilespmem:s28+$0xCB80];
	v10 =	vadd.f32 v10, v11  }
0x9d: {  	v4 =	vadd.f32 v2, v4;
	v5 =	vadd.f32 v3, v5;
	v11 =	vld [tilespmem:s28+$0xCB90]  }
0x9e: {  	v9 =	vadd.f32 v14, v9;
	v2 =	vld [tilespmem:s28+$0xCB00];
	v8 =	vadd.f32 v8, v10  }
0x9f: {  	v12 =	vadd.f32 v0, v4;
	v15 =	vadd.f32 v1, v5;
	v3 =	vld [tilespmem:s28+$0xCB10]  }
0xa0: {  	v14 =	vadd.f32 v13, v9;
	v4 =	vld [tilespmem:s28+$0xCA80];
	v13 =	vadd.f32 v6, v8  }
0xa1: {  	v5 =	vld [tilespmem:s28+$0xCA90];
	v0 =	vmov v7  }
0xa2: {  	v6 =	vld [tilespmem:s28+$0xCA00];
	v1 =	vmov v11  }
0xa3: {  	v7 =	vld [tilespmem:s28+$0xCA10]  }
0xa4: {  	v9 =	vld [tilespmem:s28+$0xC980]  }
0xa5: {  	v8 =	vld [tilespmem:s28+$0xC990]  }
0xa6: {  	v11 =	vld [tilespmem:s28+$0xC900]  }
0xa7: {  	v10 =	vld [tilespmem:s28+$0xC910]  }
.Ltmp3:
0xa8: {  	v17 =	vld [tilespmem:s28+$0xC880];
	(pc) =	sbr.rel @p1 .LBB2_5-.Ltmp3, $4  }
0xa9: {  	v16 =	vld [tilespmem:s28+$0xC890]  }
0xaa: {  	v19 =	vld [tilespmem:s28+$0xC800]  }
0xab: {  	v20 =	vld [tilespmem:s28+$0xC810]  }
0xac: {  	s29 =	sadd.s32 $0x1000, s29;
	v18 =	vld [tilespmem:s28+$0xC820]  }
0xad: {  	v21 =	vld [tilespmem:s28+$0xC830]  }
0xae: {  	v22 =	vld [tilespmem:s28+$0xC8A0]  }
0xaf: {  	v23 =	vld [tilespmem:s28+$0xC8B0];
	v12 =	vadd.f32 v19, v12  }
0xb0: {  	v43 =	vld [tilespmem:s28+$0xC920];
	v15 =	vadd.f32 v20, v15  }
0xb1: {  	v44 =	vld [tilespmem:s28+$0xC930];
	v14 =	vadd.f32 v18, v14;
	v12 =	vadd.f32 v17, v12  }
0xb2: {  	v45 =	vld [tilespmem:s28+$0xC9A0];
	v13 =	vadd.f32 v21, v13;
	v15 =	vadd.f32 v16, v15  }
0xb3: {  	v46 =	vld [tilespmem:s28+$0xC9B0];
	v14 =	vadd.f32 v22, v14;
	v11 =	vadd.f32 v11, v12  }
0xb4: {  	v48 =	vld [tilespmem:s28+$0xCA20];
	v47 =	vadd.f32 v23, v13;
	v10 =	vadd.f32 v10, v15  }
0xb5: {  	v49 =	vld [tilespmem:s28+$0xCA30];
	v14 =	vadd.f32 v43, v14;
	v9 =	vadd.f32 v9, v11  }
0xb6: {  	v51 =	vld [tilespmem:s28+$0xCAA0];
	v50 =	vadd.f32 v44, v47;
	v8 =	vadd.f32 v8, v10  }
0xb7: {  	v52 =	vld [tilespmem:s28+$0xCAB0];
	v14 =	vadd.f32 v45, v14;
	v6 =	vadd.f32 v6, v9  }
0xb8: {  	v54 =	vld [tilespmem:s28+$0xCB20];
	v53 =	vadd.f32 v46, v50;
	v7 =	vadd.f32 v7, v8  }
0xb9: {  	v55 =	vld [tilespmem:s28+$0xCB30];
	v13 =	vadd.f32 v48, v14;
	v4 =	vadd.f32 v4, v6  }
0xba: {  	v57 =	vld [tilespmem:s28+$0xCBA0];
	v56 =	vadd.f32 v49, v53;
	v5 =	vadd.f32 v5, v7  }
0xbb: {  	v58 =	vld [tilespmem:s28+$0xCBB0];
	v12 =	vadd.f32 v51, v13;
	v2 =	vadd.f32 v2, v4  }
0xbc: {  	v59 =	vadd.f32 v52, v56;
	v3 =	vadd.f32 v3, v5  }
0xbd: {  	v60 =	vadd.f32 v54, v12;
	v0 =	vadd.f32 v0, v2  }
.Ltmp4:
0xbe: {  	v61 =	vadd.f32 v55, v59;
	v1 =	vadd.f32 v1, v3;
	(pc) =	sbr.rel @p0 .LBB2_10-.Ltmp4, $4  }
0xbf: {  	v62 =	vadd.f32 v57, v60;
	[tilespmem:s26+$0x19040] =	vst v0  }
0xc0: {  	v63 =	vadd.f32 v58, v61;
	[tilespmem:s26+$0x19050] =	vst v1  }
0xc1: {  	[tilespmem:s26+$0x19060] =	vst v62  }
0xc2: {  	[tilespmem:s26+$0x19070] =	vst v63  }
0xc3: {  	p0 =	sgt.u32 s25, $0x28  }
0xc4: {  	s28 =	smul.u32 @!p0 $0x960, s25  }
0xc5: {  	_ =	swait.ge [sflag:s23], $0x6400  }
0xc6: {  	[sflag:s23] =	ssyncset.done $0x0;
	s30 =	simm.s32 @!p0 $0x80;
	s28 =	sshra.s32 @!p0 s28, $0x2  }
0xc7: {  	s31 =	simm.s32 @!p0 $0x12C00;
	[sflag:s23] =	ssyncadd.s32 $0xFFFF9C00;
	s29 =	sadd.s32 @!p0 $0x3E8, s28  }
0xc8: {  	[tilespmem:s31], [sflag:$0x3] =	stream.indirect.gather @!p0 [hbm4b:s3+s30], $0x80, s29, s30, $0xb8;
	[tilespmem:$0x1B000] =	vst v63  }
0xc9: {  	s28 =	sadd.s32 @!p0 $0x468, s28;
	s29 =	simm.s32 @!p0 $0x48;
	s30 =	simm.s32 @!p0 $0x16C00  }
0xca: {  	[tilespmem:s30], [sflag:$0x3] =	stream.indirect.gather @!p0 [hbm4b:s3+s29], $0x80, s28, s29, $0xb8;
	[tilespmem:$0x1B000] =	vst v63  }
0xcb: {  	s28 =	simm.s32 $0x0  }
0xcc: {  	v0 =	vld [tilespmem:s28+$0x12F80]  }
0xcd: {  	v1 =	vld [tilespmem:s28+$0x12F90]  }
0xce: {  	v2 =	vld [tilespmem:s28+$0x12F00]  }
0xcf: {  	v3 =	vld [tilespmem:s28+$0x12F10]  }
0xd0: {  	v4 =	vld [tilespmem:s28+$0x12E80]  }
0xd1: {  	v5 =	vld [tilespmem:s28+$0x12E90]  }
0xd2: {  	v6 =	vld [tilespmem:s28+$0x12E00]  }
0xd3: {  	v7 =	vld [tilespmem:s28+$0x12E10]  }
0xd4: {  	v9 =	vld [tilespmem:s28+$0x12D80]  }
0xd5: {  	v8 =	vld [tilespmem:s28+$0x12D90]  }
0xd6: {  	v11 =	vld [tilespmem:s28+$0x12D00]  }
0xd7: {  	v10 =	vld [tilespmem:s28+$0x12D10]  }
0xd8: {  	v17 =	vld [tilespmem:s28+$0x12C80]  }
0xd9: {  	v16 =	vld [tilespmem:s28+$0x12C90]  }
0xda: {  	v19 =	vld [tilespmem:s28+$0x12C00]  }
0xdb: {  	v12 =	vimm.f32 $0.0e+00;
	v20 =	vld [tilespmem:s28+$0x12C10]  }
0xdc: {  	v15 =	vimm.f32 $0.0e+00;
	v14 =	vimm.f32 $0.0e+00;
	v13 =	vimm.f32 $0.0e+00;
	s29 =	simm.s32 $0x1000;
	v18 =	vld [tilespmem:s28+$0x12C20]  }
.LBB2_8:
0xdd: {  	p0 =	sne.s32 s29, $0x18000;
	v21 =	vld [tilespmem:s28+$0x12C30]  }
0xde: {  	v22 =	vld [tilespmem:s28+$0x12CA0]  }
0xdf: {  	v23 =	vld [tilespmem:s28+$0x12CB0]  }
0xe0: {  	v24 =	vld [tilespmem:s28+$0x12D20]  }
0xe1: {  	v12 =	vadd.f32 v19, v12;
	v15 =	vadd.f32 v20, v15;
	v19 =	vld [tilespmem:s28+$0x12D30]  }
0xe2: {  	v14 =	vadd.f32 v18, v14;
	v13 =	vadd.f32 v21, v13;
	v18 =	vld [tilespmem:s28+$0x12DA0]  }
0xe3: {  	v12 =	vadd.f32 v17, v12;
	v15 =	vadd.f32 v16, v15;
	v16 =	vld [tilespmem:s28+$0x12DB0]  }
0xe4: {  	v14 =	vadd.f32 v22, v14;
	v13 =	vadd.f32 v23, v13;
	v17 =	vld [tilespmem:s28+$0x12E20]  }
0xe5: {  	v11 =	vadd.f32 v11, v12;
	v10 =	vadd.f32 v10, v15;
	v12 =	vld [tilespmem:s28+$0x12E30]  }
0xe6: {  	v14 =	vadd.f32 v24, v14;
	v13 =	vadd.f32 v19, v13;
	v15 =	vld [tilespmem:s28+$0x12EA0]  }
0xe7: {  	v9 =	vadd.f32 v9, v11;
	v8 =	vadd.f32 v8, v10;
	v10 =	vld [tilespmem:s28+$0x12EB0]  }
0xe8: {  	v11 =	vadd.f32 v18, v14;
	v13 =	vadd.f32 v16, v13;
	v14 =	vld [tilespmem:s28+$0x12F20]  }
0xe9: {  	v6 =	vadd.f32 v6, v9;
	v7 =	vadd.f32 v7, v8;
	v8 =	vld [tilespmem:s28+$0x12F30]  }
0xea: {  	v9 =	vadd.f32 v17, v11;
	v11 =	vadd.f32 v12, v13;
	v13 =	vld [tilespmem:s28+$0x12FA0]  }
0xeb: {  	v4 =	vadd.f32 v4, v6;
	v5 =	vadd.f32 v5, v7;
	v6 =	vld [tilespmem:s28+$0x12FB0];
	s28 =	sshra.s32 s29, $0x2  }
0xec: {  	v9 =	vadd.f32 v15, v9;
	v7 =	vld [tilespmem:s28+$0x12F80];
	v10 =	vadd.f32 v10, v11  }
0xed: {  	v4 =	vadd.f32 v2, v4;
	v5 =	vadd.f32 v3, v5;
	v11 =	vld [tilespmem:s28+$0x12F90]  }
0xee: {  	v9 =	vadd.f32 v14, v9;
	v2 =	vld [tilespmem:s28+$0x12F00];
	v8 =	vadd.f32 v8, v10  }
0xef: {  	v12 =	vadd.f32 v0, v4;
	v15 =	vadd.f32 v1, v5;
	v3 =	vld [tilespmem:s28+$0x12F10]  }
0xf0: {  	v14 =	vadd.f32 v13, v9;
	v4 =	vld [tilespmem:s28+$0x12E80];
	v13 =	vadd.f32 v6, v8  }
0xf1: {  	v5 =	vld [tilespmem:s28+$0x12E90];
	v0 =	vmov v7  }
0xf2: {  	v6 =	vld [tilespmem:s28+$0x12E00];
	v1 =	vmov v11  }
0xf3: {  	v7 =	vld [tilespmem:s28+$0x12E10]  }
0xf4: {  	v9 =	vld [tilespmem:s28+$0x12D80]  }
0xf5: {  	v8 =	vld [tilespmem:s28+$0x12D90]  }
0xf6: {  	v11 =	vld [tilespmem:s28+$0x12D00]  }
0xf7: {  	v10 =	vld [tilespmem:s28+$0x12D10]  }
.Ltmp5:
0xf8: {  	v17 =	vld [tilespmem:s28+$0x12C80];
	(pc) =	sbr.rel @p0 .LBB2_8-.Ltmp5, $4  }
0xf9: {  	v16 =	vld [tilespmem:s28+$0x12C90]  }
0xfa: {  	v19 =	vld [tilespmem:s28+$0x12C00]  }
0xfb: {  	v20 =	vld [tilespmem:s28+$0x12C10]  }
0xfc: {  	s29 =	sadd.s32 $0x1000, s29;
	v18 =	vld [tilespmem:s28+$0x12C20]  }
0xfd: {  	v21 =	vld [tilespmem:s28+$0x12C30]  }
0xfe: {  	v22 =	vld [tilespmem:s28+$0x12CA0]  }
0xff: {  	v23 =	vld [tilespmem:s28+$0x12CB0];
	v12 =	vadd.f32 v19, v12  }
0x100: {  	v43 =	vld [tilespmem:s28+$0x12D20];
	v15 =	vadd.f32 v20, v15  }
0x101: {  	v44 =	vld [tilespmem:s28+$0x12D30];
	v14 =	vadd.f32 v18, v14;
	v12 =	vadd.f32 v17, v12  }
0x102: {  	v45 =	vld [tilespmem:s28+$0x12DA0];
	v13 =	vadd.f32 v21, v13;
	v15 =	vadd.f32 v16, v15  }
0x103: {  	v46 =	vld [tilespmem:s28+$0x12DB0];
	v14 =	vadd.f32 v22, v14;
	v11 =	vadd.f32 v11, v12  }
0x104: {  	v48 =	vld [tilespmem:s28+$0x12E20];
	v47 =	vadd.f32 v23, v13;
	v10 =	vadd.f32 v10, v15  }
0x105: {  	v49 =	vld [tilespmem:s28+$0x12E30];
	v14 =	vadd.f32 v43, v14;
	v9 =	vadd.f32 v9, v11  }
0x106: {  	v51 =	vld [tilespmem:s28+$0x12EA0];
	v50 =	vadd.f32 v44, v47;
	v8 =	vadd.f32 v8, v10  }
0x107: {  	v52 =	vld [tilespmem:s28+$0x12EB0];
	v14 =	vadd.f32 v45, v14;
	v6 =	vadd.f32 v6, v9  }
0x108: {  	v54 =	vld [tilespmem:s28+$0x12F20];
	v53 =	vadd.f32 v46, v50;
	v7 =	vadd.f32 v7, v8  }
0x109: {  	v55 =	vld [tilespmem:s28+$0x12F30];
	v13 =	vadd.f32 v48, v14;
	v4 =	vadd.f32 v4, v6  }
0x10a: {  	v57 =	vld [tilespmem:s28+$0x12FA0];
	v56 =	vadd.f32 v49, v53;
	v5 =	vadd.f32 v5, v7  }
0x10b: {  	v58 =	vld [tilespmem:s28+$0x12FB0];
	v12 =	vadd.f32 v51, v13;
	v2 =	vadd.f32 v2, v4  }
0x10c: {  	s25 =	sadd.s32 $0x1, s25;
	v59 =	vadd.f32 v52, v56;
	v3 =	vadd.f32 v3, v5  }
0x10d: {  	p0 =	sne.s32 s25, $0x2B;
	v60 =	vadd.f32 v54, v12;
	v0 =	vadd.f32 v0, v2  }
.Ltmp6:
0x10e: {  	v61 =	vadd.f32 v55, v59;
	v1 =	vadd.f32 v1, v3;
	(pc) =	sbr.rel @p0 .LBB2_2-.Ltmp6, $4  }
.Ltmp7:
0x10f: {  	v62 =	vadd.f32 v57, v60;
	[tilespmem:s26+$0x19080] =	vst v0;
	(pc) =	sbr.rel @!p0 .LBB2_10-.Ltmp7, $4  }
0x110: {  	v63 =	vadd.f32 v58, v61;
	[tilespmem:s26+$0x19090] =	vst v1  }
0x111: {  	[tilespmem:s26+$0x190A0] =	vst v62  }
0x112: {  	[tilespmem:s26+$0x190B0] =	vst v63  }
0x113: {  	_ = 	snop  }
.LBB2_11:
0x114: {  	_ =	sfence.sel $0x180000  }
0x115: {  	[bflag:$0x0] =	sbarrier.arrive $0xFFFF  }
0x116: {  	p0 =	sne.s32 s0, $0x0;
	_ =	strace $0x90000047  }
0x117: {  	s0 =	sadd.s32 @!p0 $0x100000, s1;
	[bflag:$0x2] =	sbarrier.arrive $0xFFFF  }
0x118: {  	[sflag:s0] =	ssyncadd.tile.s32 @!p0 $0x1;
	_ =	shalt  }
.Lfunc_end2:
_tile_overlayer_lowered:
.L_overlay_start_2:
0x119: {  	(tag) =	ssettag $0x2  }
0x11a: {  	s0 =	rddreg [dreg:$0x0];
	s2 =	stileid.u32  }
0x11b: {  	s1 =	rddreg [dreg:$0x1];
	p0 =	sne.s32 s2, $0x0  }
0x11c: {  	s3 =	rddreg [dreg:$0x2];
	[bflag:$0x3] =	sbarrier.arrive $0xFFFF;
	s2 =	simm.s32 @!p0 $0x1C04  }
0x11d: {  	[timem:s3], [sflag:s2] =	dma.local @!p0 [hbm:s0], s1  }
0x11e: {  	s0 =	simm.s32 @!p0 $0x4  }
0x11f: {  	_ =	swait.ge @!p0 [sflag:s0], s1  }
0x120: {  	s1 =	ssub.s32 @!p0 $0x0, s1;
	[sflag:s0] =	ssyncset.done @!p0 $0x0  }
0x121: {  	[sflag:s0] =	ssyncadd.s32 @!p0 s1  }
0x122: {  	[bflag:$0x3] =	sbarrier.arrive $0xFFFF  }
0x123: {  	_ =	shalt  }

</sc_bundles>
